<compile_context>
chip_gen: v7x
topology: tpu7x:2x2x1
jax: 0.10.2.dev20260603
libtpu: 0.0.44.dev20260713+nightly
codegen_flags: <defaults>
</compile_context>

<pallas_src>
import functools

import jax
import jax.numpy as jnp
from jax import lax
from jax.experimental import pallas as pl
from jax.experimental.pallas import tpu as pltpu
from jax.experimental.pallas import tpu_sc as plsc

_CH = 128
_KC = 4
_NB = 3


@functools.lru_cache(maxsize=None)
def _build(N, NC, NS):
    NW = NC * NS
    per_w = N // NW
    n_ch = per_w // _CH
    G = n_ch // _KC
    mesh = plsc.VectorSubcoreMesh(core_axis_name="c", subcore_axis_name="s")

    @functools.partial(
        pl.kernel,
        mesh=mesh,
        out_type=jax.ShapeDtypeStruct((N // _CH, _CH, 128), jnp.float32),
        scratch_types=[
            pltpu.VMEM((n_ch, _CH), jnp.int32),
            pltpu.VMEM((_NB, _KC, _CH, 64), jnp.float32),
            [pltpu.SemaphoreType.DMA] * _NB,
            [pltpu.SemaphoreType.DMA] * _NB,
        ],
        compiler_params=pltpu.CompilerParams(
            use_tc_tiling_on_sc=False, needs_layout_passes=False
        ),
    )
    def k(x_hbm, table_hbm, out_hbm, idx_v, rows_v, gsems, wsems):
        wid = lax.axis_index("s") * NC + lax.axis_index("c")
        base = wid * n_ch
        pltpu.sync_copy(x_hbm.at[wid], idx_v)

        def fire(g, b):
            for kk in range(_KC):
                pltpu.async_copy(
                    table_hbm.at[idx_v.at[g * _KC + kk]],
                    rows_v.at[b, kk],
                    gsems[b],
                )

        def drain(g, b):
            for kk in range(_KC):
                pltpu.make_async_copy(
                    table_hbm.at[idx_v.at[g * _KC + kk]],
                    rows_v.at[b, kk],
                    gsems[b],
                ).wait()

        def write(g, b):
            pltpu.async_copy(
                rows_v.at[b],
                out_hbm.at[pl.ds(base + g * _KC, _KC), :, pl.ds(0, 64)],
                wsems[b],
            )

        def write_wait(g, b):
            pltpu.make_async_copy(
                rows_v.at[b],
                out_hbm.at[pl.ds(base + g * _KC, _KC), :, pl.ds(0, 64)],
                wsems[b],
            ).wait()

        fire(0, 0)
        fire(1, 1)

        def step(g, ph):
            nb = (ph + 2) % _NB

            @pl.when(g + 2 < G)
            def _():
                @pl.when(g >= 1)
                def _():
                    write_wait(g - 1, nb)

                fire(g + 2, nb)

            drain(g, ph)
            write(g, ph)

        def body(i, carry):
            g = _NB * i
            for ph in range(_NB):
                step(g + ph, ph)
            return carry

        lax.fori_loop(0, G // _NB, body, 0)
        for g in range(G - G % _NB, G):
            drain(g, g % _NB)
            write(g, g % _NB)
        for g in range(G - _NB, G):
            write_wait(g, g % _NB)

    return k


def kernel(x, table):
    B, S = x.shape
    V, D = table.shape
    N = B * S
    info = plsc.get_sparse_core_info()
    NC, NS = info.num_cores, info.num_subcores
    NW = NC * NS
    grain = NW * _CH * _KC
    Np = ((N + grain - 1) // grain) * grain
    xf = x.reshape(-1).astype(jnp.int32) * 2
    if Np != N:
        xf = jnp.concatenate([xf, jnp.zeros((Np - N,), jnp.int32)])
    xf = xf.reshape(NW, Np // (NW * _CH), _CH)
    tbl2 = jnp.pad(table, ((0, 0), (0, 128 - D))).reshape(2 * V, D)
    out = _build(Np, NC, NS)(xf, tbl2)
    out = out.reshape(Np, 128)
    if Np != N:
        out = out[:N]
    return out[:, :D].reshape(B, S, D)

# --- scband reference (transcript-rebuilt; emitter-appended) ---
"""Pipeline reference for scband-token-embedding-25529285607631 (READ-ONLY COPY).

The authoritative reference and input builder live on the scoring server;
editing this copy changes nothing except your own understanding.
"""

import jax, jax.numpy as jnp
import numpy as np

VOCAB = 1000000
DIM = 64
BATCH = 4096
SEQ = 200

def setup_inputs(seed: int = 0) -> dict:
    key = jax.random.key(seed)
    k1, k2 = jax.random.split(key)
    x = jax.random.randint(k1, (BATCH, SEQ), 0, VOCAB, dtype=jnp.int64 if jax.config.jax_enable_x64 else jnp.int32)
    table = jax.random.normal(k2, (VOCAB, DIM), dtype=jnp.float32)
    return {"x": x, "table": table}

def reference(x, table):
    # nn.Embedding forward: gather rows of the table by token index
    return jnp.take(table, x, axis=0)

if __name__ == "__main__":
    import jax
    _d = setup_inputs()
    print(jax.jit(kernel)(*tuple(_d.values())))

</pallas_src>

<mosaic_0001>
#map = affine_map<(d0, d1) -> (0, 0, 0)>
#map1 = affine_map<(d0, d1) -> (0, 0)>
module attributes {stable_mosaic.version = 14 : i64} {
  func.func @k(%arg0: i32, %arg1: i32, %arg2: memref<32x200x128xi32, #tpu.memory_space<hbm>>, %arg3: memref<2000000x64xf32, #tpu.memory_space<hbm>>, %arg4: memref<6400x128x128xf32, #tpu.memory_space<hbm>>, %arg5: memref<200x128xi32, #tpu.memory_space<vmem>>, %arg6: memref<3x4x128x64xf32, #tpu.memory_space<vmem>>, %arg7: memref<!tpu.dma_semaphore, #tpu.memory_space<semaphore_mem>>, %arg8: memref<!tpu.dma_semaphore, #tpu.memory_space<semaphore_mem>>, %arg9: memref<!tpu.dma_semaphore, #tpu.memory_space<semaphore_mem>>, %arg10: memref<!tpu.dma_semaphore, #tpu.memory_space<semaphore_mem>>, %arg11: memref<!tpu.dma_semaphore, #tpu.memory_space<semaphore_mem>>, %arg12: memref<!tpu.dma_semaphore, #tpu.memory_space<semaphore_mem>>) attributes {dimension_semantics = [#tpu.dimension_semantics<core_parallel>, #tpu.dimension_semantics<subcore_parallel>], iteration_bounds = array<i64: 2, 16>, scalar_prefetch = 0 : i64, scratch_operands = 8 : i64, tpu.core_type = #tpu.core_type<sc_vector_subcore>, window_params = [{transform_indices = #map}, {transform_indices = #map1}, {transform_indices = #map}]} {
    %mul3A = arith.constant 2 : i32
    %mul3A_0 = arith.muli %arg1, %mul3A : i32
    %add3A = arith.addi %mul3A_0, %arg0 : i32
    %mul3A_1 = arith.constant 200 : i32
    %mul3A_2 = arith.muli %add3A, %mul3A_1 : i32
    "tpu.region"() ({
      %run_scoped3A = tpu.sem_alloc : memref<!tpu.dma_semaphore, #tpu.memory_space<semaphore_mem>>
      %dma_start3A_309 = arith.constant 0 : i32
      %dma_start3A_310 = arith.constant 0 : i32
      %dma_start3A_311 = tpu.memref_slice %arg2[%add3A, %dma_start3A_309, %dma_start3A_310] : memref<32x200x128xi32, #tpu.memory_space<hbm>> -> memref<1x200x128xi32, #tpu.memory_space<hbm>>
      %dma_start3A_312 = tpu.memref_squeeze %dma_start3A_311 : memref<1x200x128xi32, #tpu.memory_space<hbm>> -> memref<200x128xi32, #tpu.memory_space<hbm>>
      %dma_start3A_313 = arith.constant 0 : i32
      %dma_start3A_314 = arith.constant 0 : i32
      %dma_start3A_315 = tpu.memref_slice %arg2[%add3A, %dma_start3A_313, %dma_start3A_314] : memref<32x200x128xi32, #tpu.memory_space<hbm>> -> memref<1x200x128xi32, #tpu.memory_space<hbm>>
      %dma_start3A_316 = tpu.memref_squeeze %dma_start3A_315 : memref<1x200x128xi32, #tpu.memory_space<hbm>> -> memref<200x128xi32, #tpu.memory_space<hbm>>
      tpu.enqueue_dma source(%dma_start3A_316 : memref<200x128xi32, #tpu.memory_space<hbm>>) target(%arg5 : memref<200x128xi32, #tpu.memory_space<vmem>>) target_semaphore(%run_scoped3A : memref<!tpu.dma_semaphore, #tpu.memory_space<semaphore_mem>>)
      %dma_wait3A_317 = arith.constant 0 : i32
      %dma_wait3A_318 = arith.constant 0 : i32
      %dma_wait3A_319 = tpu.memref_slice %arg2[%add3A, %dma_wait3A_317, %dma_wait3A_318] : memref<32x200x128xi32, #tpu.memory_space<hbm>> -> memref<1x200x128xi32, #tpu.memory_space<hbm>>
      %dma_wait3A_320 = tpu.memref_squeeze %dma_wait3A_319 : memref<1x200x128xi32, #tpu.memory_space<hbm>> -> memref<200x128xi32, #tpu.memory_space<hbm>>
      %dma_wait3A_321 = arith.constant 0 : i32
      %dma_wait3A_322 = arith.constant 0 : i32
      %dma_wait3A_323 = tpu.memref_slice %arg2[%add3A, %dma_wait3A_321, %dma_wait3A_322] : memref<32x200x128xi32, #tpu.memory_space<hbm>> -> memref<1x200x128xi32, #tpu.memory_space<hbm>>
      %dma_wait3A_324 = tpu.memref_squeeze %dma_wait3A_323 : memref<1x200x128xi32, #tpu.memory_space<hbm>> -> memref<200x128xi32, #tpu.memory_space<hbm>>
      tpu.wait_dma2 semaphore(%run_scoped3A : memref<!tpu.dma_semaphore, #tpu.memory_space<semaphore_mem>>) src(%dma_wait3A_324 : memref<200x128xi32, #tpu.memory_space<hbm>>) dst(%arg5 : memref<200x128xi32, #tpu.memory_space<vmem>>)
      tpu.yield
    }) : () -> ()
    %dma_start3A = arith.constant 0 : i32
    %dma_start3A_3 = arith.constant 0 : i32
    %dma_start3A_4 = arith.constant 0 : i32
    %dma_start3A_5 = arith.constant 0 : i32
    %dma_start3A_6 = arith.constant 0 : i32
    %dma_start3A_7 = tpu.memref_slice %arg6[%dma_start3A_3, %dma_start3A_4, %dma_start3A_5, %dma_start3A_6] : memref<3x4x128x64xf32, #tpu.memory_space<vmem>> -> memref<1x1x128x64xf32, #tpu.memory_space<vmem>>
    %dma_start3A_8 = tpu.memref_squeeze %dma_start3A_7 : memref<1x1x128x64xf32, #tpu.memory_space<vmem>> -> memref<128x64xf32, #tpu.memory_space<vmem>>
    %dma_start3A_9 = arith.constant 0 : i32
    %dma_start3A_10 = tpu.memref_slice %arg5[%dma_start3A, %dma_start3A_9] : memref<200x128xi32, #tpu.memory_space<vmem>> -> memref<1x128xi32, #tpu.memory_space<vmem>>
    %dma_start3A_11 = tpu.memref_squeeze %dma_start3A_10 : memref<1x128xi32, #tpu.memory_space<vmem>> -> memref<128xi32, #tpu.memory_space<vmem>>
    %dma_start3A_12 = arith.constant 0 : i32
    %dma_start3A_13 = arith.constant 0 : i32
    %dma_start3A_14 = tpu.memref_slice %arg3[%dma_start3A_12, %dma_start3A_13] : memref<2000000x64xf32, #tpu.memory_space<hbm>> -> memref<2000000x64xf32, #tpu.memory_space<hbm>>
    tpu.enqueue_indirect_dma source(%dma_start3A_14 : memref<2000000x64xf32, #tpu.memory_space<hbm>>) target(%dma_start3A_8 : memref<128x64xf32, #tpu.memory_space<vmem>>) offsets(%dma_start3A_11 : memref<128xi32, #tpu.memory_space<vmem>>) semaphore(%arg7 : memref<!tpu.dma_semaphore, #tpu.memory_space<semaphore_mem>>)
    %dma_start3A_15 = arith.constant 1 : i32
    %dma_start3A_16 = arith.constant 0 : i32
    %dma_start3A_17 = arith.constant 1 : i32
    %dma_start3A_18 = arith.constant 0 : i32
    %dma_start3A_19 = arith.constant 0 : i32
    %dma_start3A_20 = tpu.memref_slice %arg6[%dma_start3A_16, %dma_start3A_17, %dma_start3A_18, %dma_start3A_19] : memref<3x4x128x64xf32, #tpu.memory_space<vmem>> -> memref<1x1x128x64xf32, #tpu.memory_space<vmem>>
    %dma_start3A_21 = tpu.memref_squeeze %dma_start3A_20 : memref<1x1x128x64xf32, #tpu.memory_space<vmem>> -> memref<128x64xf32, #tpu.memory_space<vmem>>
    %dma_start3A_22 = arith.constant 0 : i32
    %dma_start3A_23 = tpu.memref_slice %arg5[%dma_start3A_15, %dma_start3A_22] : memref<200x128xi32, #tpu.memory_space<vmem>> -> memref<1x128xi32, #tpu.memory_space<vmem>>
    %dma_start3A_24 = tpu.memref_squeeze %dma_start3A_23 : memref<1x128xi32, #tpu.memory_space<vmem>> -> memref<128xi32, #tpu.memory_space<vmem>>
    %dma_start3A_25 = arith.constant 0 : i32
    %dma_start3A_26 = arith.constant 0 : i32
    %dma_start3A_27 = tpu.memref_slice %arg3[%dma_start3A_25, %dma_start3A_26] : memref<2000000x64xf32, #tpu.memory_space<hbm>> -> memref<2000000x64xf32, #tpu.memory_space<hbm>>
    tpu.enqueue_indirect_dma source(%dma_start3A_27 : memref<2000000x64xf32, #tpu.memory_space<hbm>>) target(%dma_start3A_21 : memref<128x64xf32, #tpu.memory_space<vmem>>) offsets(%dma_start3A_24 : memref<128xi32, #tpu.memory_space<vmem>>) semaphore(%arg7 : memref<!tpu.dma_semaphore, #tpu.memory_space<semaphore_mem>>)
    %dma_start3A_28 = arith.constant 2 : i32
    %dma_start3A_29 = arith.constant 0 : i32
    %dma_start3A_30 = arith.constant 2 : i32
    %dma_start3A_31 = arith.constant 0 : i32
    %dma_start3A_32 = arith.constant 0 : i32
    %dma_start3A_33 = tpu.memref_slice %arg6[%dma_start3A_29, %dma_start3A_30, %dma_start3A_31, %dma_start3A_32] : memref<3x4x128x64xf32, #tpu.memory_space<vmem>> -> memref<1x1x128x64xf32, #tpu.memory_space<vmem>>
    %dma_start3A_34 = tpu.memref_squeeze %dma_start3A_33 : memref<1x1x128x64xf32, #tpu.memory_space<vmem>> -> memref<128x64xf32, #tpu.memory_space<vmem>>
    %dma_start3A_35 = arith.constant 0 : i32
    %dma_start3A_36 = tpu.memref_slice %arg5[%dma_start3A_28, %dma_start3A_35] : memref<200x128xi32, #tpu.memory_space<vmem>> -> memref<1x128xi32, #tpu.memory_space<vmem>>
    %dma_start3A_37 = tpu.memref_squeeze %dma_start3A_36 : memref<1x128xi32, #tpu.memory_space<vmem>> -> memref<128xi32, #tpu.memory_space<vmem>>
    %dma_start3A_38 = arith.constant 0 : i32
    %dma_start3A_39 = arith.constant 0 : i32
    %dma_start3A_40 = tpu.memref_slice %arg3[%dma_start3A_38, %dma_start3A_39] : memref<2000000x64xf32, #tpu.memory_space<hbm>> -> memref<2000000x64xf32, #tpu.memory_space<hbm>>
    tpu.enqueue_indirect_dma source(%dma_start3A_40 : memref<2000000x64xf32, #tpu.memory_space<hbm>>) target(%dma_start3A_34 : memref<128x64xf32, #tpu.memory_space<vmem>>) offsets(%dma_start3A_37 : memref<128xi32, #tpu.memory_space<vmem>>) semaphore(%arg7 : memref<!tpu.dma_semaphore, #tpu.memory_space<semaphore_mem>>)
    %dma_start3A_41 = arith.constant 3 : i32
    %dma_start3A_42 = arith.constant 0 : i32
    %dma_start3A_43 = arith.constant 3 : i32
    %dma_start3A_44 = arith.constant 0 : i32
    %dma_start3A_45 = arith.constant 0 : i32
    %dma_start3A_46 = tpu.memref_slice %arg6[%dma_start3A_42, %dma_start3A_43, %dma_start3A_44, %dma_start3A_45] : memref<3x4x128x64xf32, #tpu.memory_space<vmem>> -> memref<1x1x128x64xf32, #tpu.memory_space<vmem>>
    %dma_start3A_47 = tpu.memref_squeeze %dma_start3A_46 : memref<1x1x128x64xf32, #tpu.memory_space<vmem>> -> memref<128x64xf32, #tpu.memory_space<vmem>>
    %dma_start3A_48 = arith.constant 0 : i32
    %dma_start3A_49 = tpu.memref_slice %arg5[%dma_start3A_41, %dma_start3A_48] : memref<200x128xi32, #tpu.memory_space<vmem>> -> memref<1x128xi32, #tpu.memory_space<vmem>>
    %dma_start3A_50 = tpu.memref_squeeze %dma_start3A_49 : memref<1x128xi32, #tpu.memory_space<vmem>> -> memref<128xi32, #tpu.memory_space<vmem>>
    %dma_start3A_51 = arith.constant 0 : i32
    %dma_start3A_52 = arith.constant 0 : i32
    %dma_start3A_53 = tpu.memref_slice %arg3[%dma_start3A_51, %dma_start3A_52] : memref<2000000x64xf32, #tpu.memory_space<hbm>> -> memref<2000000x64xf32, #tpu.memory_space<hbm>>
    tpu.enqueue_indirect_dma source(%dma_start3A_53 : memref<2000000x64xf32, #tpu.memory_space<hbm>>) target(%dma_start3A_47 : memref<128x64xf32, #tpu.memory_space<vmem>>) offsets(%dma_start3A_50 : memref<128xi32, #tpu.memory_space<vmem>>) semaphore(%arg7 : memref<!tpu.dma_semaphore, #tpu.memory_space<semaphore_mem>>)
    %dma_start3A_54 = arith.constant 4 : i32
    %dma_start3A_55 = arith.constant 1 : i32
    %dma_start3A_56 = arith.constant 0 : i32
    %dma_start3A_57 = arith.constant 0 : i32
    %dma_start3A_58 = arith.constant 0 : i32
    %dma_start3A_59 = tpu.memref_slice %arg6[%dma_start3A_55, %dma_start3A_56, %dma_start3A_57, %dma_start3A_58] : memref<3x4x128x64xf32, #tpu.memory_space<vmem>> -> memref<1x1x128x64xf32, #tpu.memory_space<vmem>>
    %dma_start3A_60 = tpu.memref_squeeze %dma_start3A_59 : memref<1x1x128x64xf32, #tpu.memory_space<vmem>> -> memref<128x64xf32, #tpu.memory_space<vmem>>
    %dma_start3A_61 = arith.constant 0 : i32
    %dma_start3A_62 = tpu.memref_slice %arg5[%dma_start3A_54, %dma_start3A_61] : memref<200x128xi32, #tpu.memory_space<vmem>> -> memref<1x128xi32, #tpu.memory_space<vmem>>
    %dma_start3A_63 = tpu.memref_squeeze %dma_start3A_62 : memref<1x128xi32, #tpu.memory_space<vmem>> -> memref<128xi32, #tpu.memory_space<vmem>>
    %dma_start3A_64 = arith.constant 0 : i32
    %dma_start3A_65 = arith.constant 0 : i32
    %dma_start3A_66 = tpu.memref_slice %arg3[%dma_start3A_64, %dma_start3A_65] : memref<2000000x64xf32, #tpu.memory_space<hbm>> -> memref<2000000x64xf32, #tpu.memory_space<hbm>>
    tpu.enqueue_indirect_dma source(%dma_start3A_66 : memref<2000000x64xf32, #tpu.memory_space<hbm>>) target(%dma_start3A_60 : memref<128x64xf32, #tpu.memory_space<vmem>>) offsets(%dma_start3A_63 : memref<128xi32, #tpu.memory_space<vmem>>) semaphore(%arg8 : memref<!tpu.dma_semaphore, #tpu.memory_space<semaphore_mem>>)
    %dma_start3A_67 = arith.constant 5 : i32
    %dma_start3A_68 = arith.constant 1 : i32
    %dma_start3A_69 = arith.constant 1 : i32
    %dma_start3A_70 = arith.constant 0 : i32
    %dma_start3A_71 = arith.constant 0 : i32
    %dma_start3A_72 = tpu.memref_slice %arg6[%dma_start3A_68, %dma_start3A_69, %dma_start3A_70, %dma_start3A_71] : memref<3x4x128x64xf32, #tpu.memory_space<vmem>> -> memref<1x1x128x64xf32, #tpu.memory_space<vmem>>
    %dma_start3A_73 = tpu.memref_squeeze %dma_start3A_72 : memref<1x1x128x64xf32, #tpu.memory_space<vmem>> -> memref<128x64xf32, #tpu.memory_space<vmem>>
    %dma_start3A_74 = arith.constant 0 : i32
    %dma_start3A_75 = tpu.memref_slice %arg5[%dma_start3A_67, %dma_start3A_74] : memref<200x128xi32, #tpu.memory_space<vmem>> -> memref<1x128xi32, #tpu.memory_space<vmem>>
    %dma_start3A_76 = tpu.memref_squeeze %dma_start3A_75 : memref<1x128xi32, #tpu.memory_space<vmem>> -> memref<128xi32, #tpu.memory_space<vmem>>
    %dma_start3A_77 = arith.constant 0 : i32
    %dma_start3A_78 = arith.constant 0 : i32
    %dma_start3A_79 = tpu.memref_slice %arg3[%dma_start3A_77, %dma_start3A_78] : memref<2000000x64xf32, #tpu.memory_space<hbm>> -> memref<2000000x64xf32, #tpu.memory_space<hbm>>
    tpu.enqueue_indirect_dma source(%dma_start3A_79 : memref<2000000x64xf32, #tpu.memory_space<hbm>>) target(%dma_start3A_73 : memref<128x64xf32, #tpu.memory_space<vmem>>) offsets(%dma_start3A_76 : memref<128xi32, #tpu.memory_space<vmem>>) semaphore(%arg8 : memref<!tpu.dma_semaphore, #tpu.memory_space<semaphore_mem>>)
    %dma_start3A_80 = arith.constant 6 : i32
    %dma_start3A_81 = arith.constant 1 : i32
    %dma_start3A_82 = arith.constant 2 : i32
    %dma_start3A_83 = arith.constant 0 : i32
    %dma_start3A_84 = arith.constant 0 : i32
    %dma_start3A_85 = tpu.memref_slice %arg6[%dma_start3A_81, %dma_start3A_82, %dma_start3A_83, %dma_start3A_84] : memref<3x4x128x64xf32, #tpu.memory_space<vmem>> -> memref<1x1x128x64xf32, #tpu.memory_space<vmem>>
    %dma_start3A_86 = tpu.memref_squeeze %dma_start3A_85 : memref<1x1x128x64xf32, #tpu.memory_space<vmem>> -> memref<128x64xf32, #tpu.memory_space<vmem>>
    %dma_start3A_87 = arith.constant 0 : i32
    %dma_start3A_88 = tpu.memref_slice %arg5[%dma_start3A_80, %dma_start3A_87] : memref<200x128xi32, #tpu.memory_space<vmem>> -> memref<1x128xi32, #tpu.memory_space<vmem>>
    %dma_start3A_89 = tpu.memref_squeeze %dma_start3A_88 : memref<1x128xi32, #tpu.memory_space<vmem>> -> memref<128xi32, #tpu.memory_space<vmem>>
    %dma_start3A_90 = arith.constant 0 : i32
    %dma_start3A_91 = arith.constant 0 : i32
    %dma_start3A_92 = tpu.memref_slice %arg3[%dma_start3A_90, %dma_start3A_91] : memref<2000000x64xf32, #tpu.memory_space<hbm>> -> memref<2000000x64xf32, #tpu.memory_space<hbm>>
    tpu.enqueue_indirect_dma source(%dma_start3A_92 : memref<2000000x64xf32, #tpu.memory_space<hbm>>) target(%dma_start3A_86 : memref<128x64xf32, #tpu.memory_space<vmem>>) offsets(%dma_start3A_89 : memref<128xi32, #tpu.memory_space<vmem>>) semaphore(%arg8 : memref<!tpu.dma_semaphore, #tpu.memory_space<semaphore_mem>>)
    %dma_start3A_93 = arith.constant 7 : i32
    %dma_start3A_94 = arith.constant 1 : i32
    %dma_start3A_95 = arith.constant 3 : i32
    %dma_start3A_96 = arith.constant 0 : i32
    %dma_start3A_97 = arith.constant 0 : i32
    %dma_start3A_98 = tpu.memref_slice %arg6[%dma_start3A_94, %dma_start3A_95, %dma_start3A_96, %dma_start3A_97] : memref<3x4x128x64xf32, #tpu.memory_space<vmem>> -> memref<1x1x128x64xf32, #tpu.memory_space<vmem>>
    %dma_start3A_99 = tpu.memref_squeeze %dma_start3A_98 : memref<1x1x128x64xf32, #tpu.memory_space<vmem>> -> memref<128x64xf32, #tpu.memory_space<vmem>>
    %dma_start3A_100 = arith.constant 0 : i32
    %dma_start3A_101 = tpu.memref_slice %arg5[%dma_start3A_93, %dma_start3A_100] : memref<200x128xi32, #tpu.memory_space<vmem>> -> memref<1x128xi32, #tpu.memory_space<vmem>>
    %dma_start3A_102 = tpu.memref_squeeze %dma_start3A_101 : memref<1x128xi32, #tpu.memory_space<vmem>> -> memref<128xi32, #tpu.memory_space<vmem>>
    %dma_start3A_103 = arith.constant 0 : i32
    %dma_start3A_104 = arith.constant 0 : i32
    %dma_start3A_105 = tpu.memref_slice %arg3[%dma_start3A_103, %dma_start3A_104] : memref<2000000x64xf32, #tpu.memory_space<hbm>> -> memref<2000000x64xf32, #tpu.memory_space<hbm>>
    tpu.enqueue_indirect_dma source(%dma_start3A_105 : memref<2000000x64xf32, #tpu.memory_space<hbm>>) target(%dma_start3A_99 : memref<128x64xf32, #tpu.memory_space<vmem>>) offsets(%dma_start3A_102 : memref<128xi32, #tpu.memory_space<vmem>>) semaphore(%arg8 : memref<!tpu.dma_semaphore, #tpu.memory_space<semaphore_mem>>)
    %scan3A = arith.constant 0 : i32
    %scan3A_106 = arith.constant 0 : i32
    %scan3A_107 = arith.constant 16 : i32
    %scan3A_108 = arith.addi %scan3A_106, %scan3A_107 : i32
    %scan3A_109 = arith.constant 1 : i32
    scf.for %scan3A_309 = %scan3A_106 to %scan3A_108 step %scan3A_109  : i32 {
      %mul3A_310 = arith.constant 3 : i32
      %mul3A_311 = arith.muli %mul3A_310, %scan3A_309 : i32
      %add3A_312 = arith.constant 0 : i32
      %add3A_313 = arith.addi %mul3A_311, %add3A_312 : i32
      %add3A_314 = arith.constant 2 : i32
      %add3A_315 = arith.addi %add3A_313, %add3A_314 : i32
      %lt3A = arith.constant 50 : i32
      %lt3A_316 = arith.cmpi slt, %add3A_315, %lt3A : i32
      %convert_element_type3A = arith.extui %lt3A_316 : i1 to i32
      %cond3A = arith.constant 0 : i32
      %cond3A_317 = arith.cmpi ne, %convert_element_type3A, %cond3A : i32
      scf.if %cond3A_317 {
        %ge3A = arith.constant 1 : i32
        %ge3A_588 = arith.cmpi sge, %add3A_313, %ge3A : i32
        %convert_element_type3A_589 = arith.extui %ge3A_588 : i1 to i32
        %cond3A_590 = arith.constant 0 : i32
        %cond3A_591 = arith.cmpi ne, %convert_element_type3A_589, %cond3A_590 : i32
        scf.if %cond3A_591 {
          %sub3A = arith.constant 1 : i32
          %sub3A_658 = arith.subi %add3A_313, %sub3A : i32
          %mul3A_659 = arith.constant 4 : i32
          %mul3A_660 = arith.muli %sub3A_658, %mul3A_659 : i32
          %add3A_661 = arith.addi %mul3A_2, %mul3A_660 : i32
          %dma_wait3A_662 = arith.constant 2 : i32
          %dma_wait3A_663 = arith.constant 0 : i32
          %dma_wait3A_664 = arith.constant 0 : i32
          %dma_wait3A_665 = arith.constant 0 : i32
          %dma_wait3A_666 = tpu.memref_slice %arg6[%dma_wait3A_662, %dma_wait3A_663, %dma_wait3A_664, %dma_wait3A_665] : memref<3x4x128x64xf32, #tpu.memory_space<vmem>> -> memref<1x4x128x64xf32, #tpu.memory_space<vmem>>
          %dma_wait3A_667 = tpu.memref_squeeze %dma_wait3A_666 : memref<1x4x128x64xf32, #tpu.memory_space<vmem>> -> memref<4x128x64xf32, #tpu.memory_space<vmem>>
          %dma_wait3A_668 = arith.constant 0 : i32
          %dma_wait3A_669 = arith.constant 0 : i32
          %dma_wait3A_670 = tpu.memref_slice %arg4[%add3A_661, %dma_wait3A_668, %dma_wait3A_669] : memref<6400x128x128xf32, #tpu.memory_space<hbm>> -> memref<4x128x64xf32, #tpu.memory_space<hbm>>
          %dma_wait3A_671 = arith.constant 0 : i32
          %dma_wait3A_672 = arith.constant 0 : i32
          %dma_wait3A_673 = tpu.memref_slice %arg4[%add3A_661, %dma_wait3A_671, %dma_wait3A_672] : memref<6400x128x128xf32, #tpu.memory_space<hbm>> -> memref<4x128x64xf32, #tpu.memory_space<hbm>>
          %dma_wait3A_674 = arith.constant 0 : i32
          %dma_wait3A_675 = arith.constant 0 : i32
          %dma_wait3A_676 = arith.constant 0 : i32
          %dma_wait3A_677 = tpu.memref_slice %arg6[%dma_wait3A_662, %dma_wait3A_674, %dma_wait3A_675, %dma_wait3A_676] : memref<3x4x128x64xf32, #tpu.memory_space<vmem>> -> memref<1x4x128x64xf32, #tpu.memory_space<vmem>>
          %dma_wait3A_678 = tpu.memref_squeeze %dma_wait3A_677 : memref<1x4x128x64xf32, #tpu.memory_space<vmem>> -> memref<4x128x64xf32, #tpu.memory_space<vmem>>
          tpu.wait_dma2 semaphore(%arg12 : memref<!tpu.dma_semaphore, #tpu.memory_space<semaphore_mem>>) src(%dma_wait3A_678 : memref<4x128x64xf32, #tpu.memory_space<vmem>>) dst(%dma_wait3A_673 : memref<4x128x64xf32, #tpu.memory_space<hbm>>)
        } else {
        }
        %add3A_592 = arith.constant 2 : i32
        %add3A_593 = arith.addi %add3A_313, %add3A_592 : i32
        %mul3A_594 = arith.constant 4 : i32
        %mul3A_595 = arith.muli %add3A_593, %mul3A_594 : i32
        %add3A_596 = arith.constant 0 : i32
        %add3A_597 = arith.addi %mul3A_595, %add3A_596 : i32
        %dma_start3A_598 = arith.constant 2 : i32
        %dma_start3A_599 = arith.constant 0 : i32
        %dma_start3A_600 = arith.constant 0 : i32
        %dma_start3A_601 = arith.constant 0 : i32
        %dma_start3A_602 = tpu.memref_slice %arg6[%dma_start3A_598, %dma_start3A_599, %dma_start3A_600, %dma_start3A_601] : memref<3x4x128x64xf32, #tpu.memory_space<vmem>> -> memref<1x1x128x64xf32, #tpu.memory_space<vmem>>
        %dma_start3A_603 = tpu.memref_squeeze %dma_start3A_602 : memref<1x1x128x64xf32, #tpu.memory_space<vmem>> -> memref<128x64xf32, #tpu.memory_space<vmem>>
        %dma_start3A_604 = arith.constant 0 : i32
        %dma_start3A_605 = tpu.memref_slice %arg5[%add3A_597, %dma_start3A_604] : memref<200x128xi32, #tpu.memory_space<vmem>> -> memref<1x128xi32, #tpu.memory_space<vmem>>
        %dma_start3A_606 = tpu.memref_squeeze %dma_start3A_605 : memref<1x128xi32, #tpu.memory_space<vmem>> -> memref<128xi32, #tpu.memory_space<vmem>>
        %dma_start3A_607 = arith.constant 0 : i32
        %dma_start3A_608 = arith.constant 0 : i32
        %dma_start3A_609 = tpu.memref_slice %arg3[%dma_start3A_607, %dma_start3A_608] : memref<2000000x64xf32, #tpu.memory_space<hbm>> -> memref<2000000x64xf32, #tpu.memory_space<hbm>>
        tpu.enqueue_indirect_dma source(%dma_start3A_609 : memref<2000000x64xf32, #tpu.memory_space<hbm>>) target(%dma_start3A_603 : memref<128x64xf32, #tpu.memory_space<vmem>>) offsets(%dma_start3A_606 : memref<128xi32, #tpu.memory_space<vmem>>) semaphore(%arg9 : memref<!tpu.dma_semaphore, #tpu.memory_space<semaphore_mem>>)
        %mul3A_610 = arith.constant 4 : i32
        %mul3A_611 = arith.muli %add3A_593, %mul3A_610 : i32
        %add3A_612 = arith.constant 1 : i32
        %add3A_613 = arith.addi %mul3A_611, %add3A_612 : i32
        %dma_start3A_614 = arith.constant 2 : i32
        %dma_start3A_615 = arith.constant 1 : i32
        %dma_start3A_616 = arith.constant 0 : i32
        %dma_start3A_617 = arith.constant 0 : i32
        %dma_start3A_618 = tpu.memref_slice %arg6[%dma_start3A_614, %dma_start3A_615, %dma_start3A_616, %dma_start3A_617] : memref<3x4x128x64xf32, #tpu.memory_space<vmem>> -> memref<1x1x128x64xf32, #tpu.memory_space<vmem>>
        %dma_start3A_619 = tpu.memref_squeeze %dma_start3A_618 : memref<1x1x128x64xf32, #tpu.memory_space<vmem>> -> memref<128x64xf32, #tpu.memory_space<vmem>>
        %dma_start3A_620 = arith.constant 0 : i32
        %dma_start3A_621 = tpu.memref_slice %arg5[%add3A_613, %dma_start3A_620] : memref<200x128xi32, #tpu.memory_space<vmem>> -> memref<1x128xi32, #tpu.memory_space<vmem>>
        %dma_start3A_622 = tpu.memref_squeeze %dma_start3A_621 : memref<1x128xi32, #tpu.memory_space<vmem>> -> memref<128xi32, #tpu.memory_space<vmem>>
        %dma_start3A_623 = arith.constant 0 : i32
        %dma_start3A_624 = arith.constant 0 : i32
        %dma_start3A_625 = tpu.memref_slice %arg3[%dma_start3A_623, %dma_start3A_624] : memref<2000000x64xf32, #tpu.memory_space<hbm>> -> memref<2000000x64xf32, #tpu.memory_space<hbm>>
        tpu.enqueue_indirect_dma source(%dma_start3A_625 : memref<2000000x64xf32, #tpu.memory_space<hbm>>) target(%dma_start3A_619 : memref<128x64xf32, #tpu.memory_space<vmem>>) offsets(%dma_start3A_622 : memref<128xi32, #tpu.memory_space<vmem>>) semaphore(%arg9 : memref<!tpu.dma_semaphore, #tpu.memory_space<semaphore_mem>>)
        %mul3A_626 = arith.constant 4 : i32
        %mul3A_627 = arith.muli %add3A_593, %mul3A_626 : i32
        %add3A_628 = arith.constant 2 : i32
        %add3A_629 = arith.addi %mul3A_627, %add3A_628 : i32
        %dma_start3A_630 = arith.constant 2 : i32
        %dma_start3A_631 = arith.constant 2 : i32
        %dma_start3A_632 = arith.constant 0 : i32
        %dma_start3A_633 = arith.constant 0 : i32
        %dma_start3A_634 = tpu.memref_slice %arg6[%dma_start3A_630, %dma_start3A_631, %dma_start3A_632, %dma_start3A_633] : memref<3x4x128x64xf32, #tpu.memory_space<vmem>> -> memref<1x1x128x64xf32, #tpu.memory_space<vmem>>
        %dma_start3A_635 = tpu.memref_squeeze %dma_start3A_634 : memref<1x1x128x64xf32, #tpu.memory_space<vmem>> -> memref<128x64xf32, #tpu.memory_space<vmem>>
        %dma_start3A_636 = arith.constant 0 : i32
        %dma_start3A_637 = tpu.memref_slice %arg5[%add3A_629, %dma_start3A_636] : memref<200x128xi32, #tpu.memory_space<vmem>> -> memref<1x128xi32, #tpu.memory_space<vmem>>
        %dma_start3A_638 = tpu.memref_squeeze %dma_start3A_637 : memref<1x128xi32, #tpu.memory_space<vmem>> -> memref<128xi32, #tpu.memory_space<vmem>>
        %dma_start3A_639 = arith.constant 0 : i32
        %dma_start3A_640 = arith.constant 0 : i32
        %dma_start3A_641 = tpu.memref_slice %arg3[%dma_start3A_639, %dma_start3A_640] : memref<2000000x64xf32, #tpu.memory_space<hbm>> -> memref<2000000x64xf32, #tpu.memory_space<hbm>>
        tpu.enqueue_indirect_dma source(%dma_start3A_641 : memref<2000000x64xf32, #tpu.memory_space<hbm>>) target(%dma_start3A_635 : memref<128x64xf32, #tpu.memory_space<vmem>>) offsets(%dma_start3A_638 : memref<128xi32, #tpu.memory_space<vmem>>) semaphore(%arg9 : memref<!tpu.dma_semaphore, #tpu.memory_space<semaphore_mem>>)
        %mul3A_642 = arith.constant 4 : i32
        %mul3A_643 = arith.muli %add3A_593, %mul3A_642 : i32
        %add3A_644 = arith.constant 3 : i32
        %add3A_645 = arith.addi %mul3A_643, %add3A_644 : i32
        %dma_start3A_646 = arith.constant 2 : i32
        %dma_start3A_647 = arith.constant 3 : i32
        %dma_start3A_648 = arith.constant 0 : i32
        %dma_start3A_649 = arith.constant 0 : i32
        %dma_start3A_650 = tpu.memref_slice %arg6[%dma_start3A_646, %dma_start3A_647, %dma_start3A_648, %dma_start3A_649] : memref<3x4x128x64xf32, #tpu.memory_space<vmem>> -> memref<1x1x128x64xf32, #tpu.memory_space<vmem>>
        %dma_start3A_651 = tpu.memref_squeeze %dma_start3A_650 : memref<1x1x128x64xf32, #tpu.memory_space<vmem>> -> memref<128x64xf32, #tpu.memory_space<vmem>>
        %dma_start3A_652 = arith.constant 0 : i32
        %dma_start3A_653 = tpu.memref_slice %arg5[%add3A_645, %dma_start3A_652] : memref<200x128xi32, #tpu.memory_space<vmem>> -> memref<1x128xi32, #tpu.memory_space<vmem>>
        %dma_start3A_654 = tpu.memref_squeeze %dma_start3A_653 : memref<1x128xi32, #tpu.memory_space<vmem>> -> memref<128xi32, #tpu.memory_space<vmem>>
        %dma_start3A_655 = arith.constant 0 : i32
        %dma_start3A_656 = arith.constant 0 : i32
        %dma_start3A_657 = tpu.memref_slice %arg3[%dma_start3A_655, %dma_start3A_656] : memref<2000000x64xf32, #tpu.memory_space<hbm>> -> memref<2000000x64xf32, #tpu.memory_space<hbm>>
        tpu.enqueue_indirect_dma source(%dma_start3A_657 : memref<2000000x64xf32, #tpu.memory_space<hbm>>) target(%dma_start3A_651 : memref<128x64xf32, #tpu.memory_space<vmem>>) offsets(%dma_start3A_654 : memref<128xi32, #tpu.memory_space<vmem>>) semaphore(%arg9 : memref<!tpu.dma_semaphore, #tpu.memory_space<semaphore_mem>>)
      } else {
      }
      %mul3A_318 = arith.constant 4 : i32
      %mul3A_319 = arith.muli %add3A_313, %mul3A_318 : i32
      %add3A_320 = arith.constant 0 : i32
      %add3A_321 = arith.addi %mul3A_319, %add3A_320 : i32
      %dma_wait3A_322 = arith.constant 0 : i32
      %dma_wait3A_323 = arith.constant 0 : i32
      %dma_wait3A_324 = arith.constant 0 : i32
      %dma_wait3A_325 = arith.constant 0 : i32
      %dma_wait3A_326 = tpu.memref_slice %arg6[%dma_wait3A_322, %dma_wait3A_323, %dma_wait3A_324, %dma_wait3A_325] : memref<3x4x128x64xf32, #tpu.memory_space<vmem>> -> memref<1x1x128x64xf32, #tpu.memory_space<vmem>>
      %dma_wait3A_327 = tpu.memref_squeeze %dma_wait3A_326 : memref<1x1x128x64xf32, #tpu.memory_space<vmem>> -> memref<128x64xf32, #tpu.memory_space<vmem>>
      %dma_wait3A_328 = arith.constant 0 : i32
      %dma_wait3A_329 = tpu.memref_slice %arg5[%add3A_321, %dma_wait3A_328] : memref<200x128xi32, #tpu.memory_space<vmem>> -> memref<1x128xi32, #tpu.memory_space<vmem>>
      %dma_wait3A_330 = tpu.memref_squeeze %dma_wait3A_329 : memref<1x128xi32, #tpu.memory_space<vmem>> -> memref<128xi32, #tpu.memory_space<vmem>>
      %dma_wait3A_331 = arith.constant 0 : i32
      %dma_wait3A_332 = arith.constant 0 : i32
      %dma_wait3A_333 = tpu.memref_slice %arg3[%dma_wait3A_331, %dma_wait3A_332] : memref<2000000x64xf32, #tpu.memory_space<hbm>> -> memref<2000000x64xf32, #tpu.memory_space<hbm>>
      tpu.wait_indirect_dma semaphore(%arg7 : memref<!tpu.dma_semaphore, #tpu.memory_space<semaphore_mem>>) src(%dma_wait3A_333 : memref<2000000x64xf32, #tpu.memory_space<hbm>>) dst(%dma_wait3A_327 : memref<128x64xf32, #tpu.memory_space<vmem>>)
      %mul3A_334 = arith.constant 4 : i32
      %mul3A_335 = arith.muli %add3A_313, %mul3A_334 : i32
      %add3A_336 = arith.constant 1 : i32
      %add3A_337 = arith.addi %mul3A_335, %add3A_336 : i32
      %dma_wait3A_338 = arith.constant 0 : i32
      %dma_wait3A_339 = arith.constant 1 : i32
      %dma_wait3A_340 = arith.constant 0 : i32
      %dma_wait3A_341 = arith.constant 0 : i32
      %dma_wait3A_342 = tpu.memref_slice %arg6[%dma_wait3A_338, %dma_wait3A_339, %dma_wait3A_340, %dma_wait3A_341] : memref<3x4x128x64xf32, #tpu.memory_space<vmem>> -> memref<1x1x128x64xf32, #tpu.memory_space<vmem>>
      %dma_wait3A_343 = tpu.memref_squeeze %dma_wait3A_342 : memref<1x1x128x64xf32, #tpu.memory_space<vmem>> -> memref<128x64xf32, #tpu.memory_space<vmem>>
      %dma_wait3A_344 = arith.constant 0 : i32
      %dma_wait3A_345 = tpu.memref_slice %arg5[%add3A_337, %dma_wait3A_344] : memref<200x128xi32, #tpu.memory_space<vmem>> -> memref<1x128xi32, #tpu.memory_space<vmem>>
      %dma_wait3A_346 = tpu.memref_squeeze %dma_wait3A_345 : memref<1x128xi32, #tpu.memory_space<vmem>> -> memref<128xi32, #tpu.memory_space<vmem>>
      %dma_wait3A_347 = arith.constant 0 : i32
      %dma_wait3A_348 = arith.constant 0 : i32
      %dma_wait3A_349 = tpu.memref_slice %arg3[%dma_wait3A_347, %dma_wait3A_348] : memref<2000000x64xf32, #tpu.memory_space<hbm>> -> memref<2000000x64xf32, #tpu.memory_space<hbm>>
      tpu.wait_indirect_dma semaphore(%arg7 : memref<!tpu.dma_semaphore, #tpu.memory_space<semaphore_mem>>) src(%dma_wait3A_349 : memref<2000000x64xf32, #tpu.memory_space<hbm>>) dst(%dma_wait3A_343 : memref<128x64xf32, #tpu.memory_space<vmem>>)
      %mul3A_350 = arith.constant 4 : i32
      %mul3A_351 = arith.muli %add3A_313, %mul3A_350 : i32
      %add3A_352 = arith.constant 2 : i32
      %add3A_353 = arith.addi %mul3A_351, %add3A_352 : i32
      %dma_wait3A_354 = arith.constant 0 : i32
      %dma_wait3A_355 = arith.constant 2 : i32
      %dma_wait3A_356 = arith.constant 0 : i32
      %dma_wait3A_357 = arith.constant 0 : i32
      %dma_wait3A_358 = tpu.memref_slice %arg6[%dma_wait3A_354, %dma_wait3A_355, %dma_wait3A_356, %dma_wait3A_357] : memref<3x4x128x64xf32, #tpu.memory_space<vmem>> -> memref<1x1x128x64xf32, #tpu.memory_space<vmem>>
      %dma_wait3A_359 = tpu.memref_squeeze %dma_wait3A_358 : memref<1x1x128x64xf32, #tpu.memory_space<vmem>> -> memref<128x64xf32, #tpu.memory_space<vmem>>
      %dma_wait3A_360 = arith.constant 0 : i32
      %dma_wait3A_361 = tpu.memref_slice %arg5[%add3A_353, %dma_wait3A_360] : memref<200x128xi32, #tpu.memory_space<vmem>> -> memref<1x128xi32, #tpu.memory_space<vmem>>
      %dma_wait3A_362 = tpu.memref_squeeze %dma_wait3A_361 : memref<1x128xi32, #tpu.memory_space<vmem>> -> memref<128xi32, #tpu.memory_space<vmem>>
      %dma_wait3A_363 = arith.constant 0 : i32
      %dma_wait3A_364 = arith.constant 0 : i32
      %dma_wait3A_365 = tpu.memref_slice %arg3[%dma_wait3A_363, %dma_wait3A_364] : memref<2000000x64xf32, #tpu.memory_space<hbm>> -> memref<2000000x64xf32, #tpu.memory_space<hbm>>
      tpu.wait_indirect_dma semaphore(%arg7 : memref<!tpu.dma_semaphore, #tpu.memory_space<semaphore_mem>>) src(%dma_wait3A_365 : memref<2000000x64xf32, #tpu.memory_space<hbm>>) dst(%dma_wait3A_359 : memref<128x64xf32, #tpu.memory_space<vmem>>)
      %mul3A_366 = arith.constant 4 : i32
      %mul3A_367 = arith.muli %add3A_313, %mul3A_366 : i32
      %add3A_368 = arith.constant 3 : i32
      %add3A_369 = arith.addi %mul3A_367, %add3A_368 : i32
      %dma_wait3A_370 = arith.constant 0 : i32
      %dma_wait3A_371 = arith.constant 3 : i32
      %dma_wait3A_372 = arith.constant 0 : i32
      %dma_wait3A_373 = arith.constant 0 : i32
      %dma_wait3A_374 = tpu.memref_slice %arg6[%dma_wait3A_370, %dma_wait3A_371, %dma_wait3A_372, %dma_wait3A_373] : memref<3x4x128x64xf32, #tpu.memory_space<vmem>> -> memref<1x1x128x64xf32, #tpu.memory_space<vmem>>
      %dma_wait3A_375 = tpu.memref_squeeze %dma_wait3A_374 : memref<1x1x128x64xf32, #tpu.memory_space<vmem>> -> memref<128x64xf32, #tpu.memory_space<vmem>>
      %dma_wait3A_376 = arith.constant 0 : i32
      %dma_wait3A_377 = tpu.memref_slice %arg5[%add3A_369, %dma_wait3A_376] : memref<200x128xi32, #tpu.memory_space<vmem>> -> memref<1x128xi32, #tpu.memory_space<vmem>>
      %dma_wait3A_378 = tpu.memref_squeeze %dma_wait3A_377 : memref<1x128xi32, #tpu.memory_space<vmem>> -> memref<128xi32, #tpu.memory_space<vmem>>
      %dma_wait3A_379 = arith.constant 0 : i32
      %dma_wait3A_380 = arith.constant 0 : i32
      %dma_wait3A_381 = tpu.memref_slice %arg3[%dma_wait3A_379, %dma_wait3A_380] : memref<2000000x64xf32, #tpu.memory_space<hbm>> -> memref<2000000x64xf32, #tpu.memory_space<hbm>>
      tpu.wait_indirect_dma semaphore(%arg7 : memref<!tpu.dma_semaphore, #tpu.memory_space<semaphore_mem>>) src(%dma_wait3A_381 : memref<2000000x64xf32, #tpu.memory_space<hbm>>) dst(%dma_wait3A_375 : memref<128x64xf32, #tpu.memory_space<vmem>>)
      %mul3A_382 = arith.constant 4 : i32
      %mul3A_383 = arith.muli %add3A_313, %mul3A_382 : i32
      %add3A_384 = arith.addi %mul3A_2, %mul3A_383 : i32
      %dma_start3A_385 = arith.constant 0 : i32
      %dma_start3A_386 = arith.constant 0 : i32
      %dma_start3A_387 = arith.constant 0 : i32
      %dma_start3A_388 = arith.constant 0 : i32
      %dma_start3A_389 = tpu.memref_slice %arg6[%dma_start3A_385, %dma_start3A_386, %dma_start3A_387, %dma_start3A_388] : memref<3x4x128x64xf32, #tpu.memory_space<vmem>> -> memref<1x4x128x64xf32, #tpu.memory_space<vmem>>
      %dma_start3A_390 = tpu.memref_squeeze %dma_start3A_389 : memref<1x4x128x64xf32, #tpu.memory_space<vmem>> -> memref<4x128x64xf32, #tpu.memory_space<vmem>>
      %dma_start3A_391 = arith.constant 0 : i32
      %dma_start3A_392 = arith.constant 0 : i32
      %dma_start3A_393 = tpu.memref_slice %arg4[%add3A_384, %dma_start3A_391, %dma_start3A_392] : memref<6400x128x128xf32, #tpu.memory_space<hbm>> -> memref<4x128x64xf32, #tpu.memory_space<hbm>>
      %dma_start3A_394 = arith.constant 0 : i32
      %dma_start3A_395 = arith.constant 0 : i32
      %dma_start3A_396 = tpu.memref_slice %arg4[%add3A_384, %dma_start3A_394, %dma_start3A_395] : memref<6400x128x128xf32, #tpu.memory_space<hbm>> -> memref<4x128x64xf32, #tpu.memory_space<hbm>>
      %dma_start3A_397 = arith.constant 0 : i32
      %dma_start3A_398 = arith.constant 0 : i32
      %dma_start3A_399 = arith.constant 0 : i32
      %dma_start3A_400 = tpu.memref_slice %arg6[%dma_start3A_385, %dma_start3A_397, %dma_start3A_398, %dma_start3A_399] : memref<3x4x128x64xf32, #tpu.memory_space<vmem>> -> memref<1x4x128x64xf32, #tpu.memory_space<vmem>>
      %dma_start3A_401 = tpu.memref_squeeze %dma_start3A_400 : memref<1x4x128x64xf32, #tpu.memory_space<vmem>> -> memref<4x128x64xf32, #tpu.memory_space<vmem>>
      tpu.enqueue_dma source(%dma_start3A_401 : memref<4x128x64xf32, #tpu.memory_space<vmem>>) target(%dma_start3A_396 : memref<4x128x64xf32, #tpu.memory_space<hbm>>) target_semaphore(%arg10 : memref<!tpu.dma_semaphore, #tpu.memory_space<semaphore_mem>>)
      %add3A_402 = arith.constant 1 : i32
      %add3A_403 = arith.addi %mul3A_311, %add3A_402 : i32
      %add3A_404 = arith.constant 2 : i32
      %add3A_405 = arith.addi %add3A_403, %add3A_404 : i32
      %lt3A_406 = arith.constant 50 : i32
      %lt3A_407 = arith.cmpi slt, %add3A_405, %lt3A_406 : i32
      %convert_element_type3A_408 = arith.extui %lt3A_407 : i1 to i32
      %cond3A_409 = arith.constant 0 : i32
      %cond3A_410 = arith.cmpi ne, %convert_element_type3A_408, %cond3A_409 : i32
      scf.if %cond3A_410 {
        %ge3A = arith.constant 1 : i32
        %ge3A_588 = arith.cmpi sge, %add3A_403, %ge3A : i32
        %convert_element_type3A_589 = arith.extui %ge3A_588 : i1 to i32
        %cond3A_590 = arith.constant 0 : i32
        %cond3A_591 = arith.cmpi ne, %convert_element_type3A_589, %cond3A_590 : i32
        scf.if %cond3A_591 {
          %sub3A = arith.constant 1 : i32
          %sub3A_658 = arith.subi %add3A_403, %sub3A : i32
          %mul3A_659 = arith.constant 4 : i32
          %mul3A_660 = arith.muli %sub3A_658, %mul3A_659 : i32
          %add3A_661 = arith.addi %mul3A_2, %mul3A_660 : i32
          %dma_wait3A_662 = arith.constant 0 : i32
          %dma_wait3A_663 = arith.constant 0 : i32
          %dma_wait3A_664 = arith.constant 0 : i32
          %dma_wait3A_665 = arith.constant 0 : i32
          %dma_wait3A_666 = tpu.memref_slice %arg6[%dma_wait3A_662, %dma_wait3A_663, %dma_wait3A_664, %dma_wait3A_665] : memref<3x4x128x64xf32, #tpu.memory_space<vmem>> -> memref<1x4x128x64xf32, #tpu.memory_space<vmem>>
          %dma_wait3A_667 = tpu.memref_squeeze %dma_wait3A_666 : memref<1x4x128x64xf32, #tpu.memory_space<vmem>> -> memref<4x128x64xf32, #tpu.memory_space<vmem>>
          %dma_wait3A_668 = arith.constant 0 : i32
          %dma_wait3A_669 = arith.constant 0 : i32
          %dma_wait3A_670 = tpu.memref_slice %arg4[%add3A_661, %dma_wait3A_668, %dma_wait3A_669] : memref<6400x128x128xf32, #tpu.memory_space<hbm>> -> memref<4x128x64xf32, #tpu.memory_space<hbm>>
          %dma_wait3A_671 = arith.constant 0 : i32
          %dma_wait3A_672 = arith.constant 0 : i32
          %dma_wait3A_673 = tpu.memref_slice %arg4[%add3A_661, %dma_wait3A_671, %dma_wait3A_672] : memref<6400x128x128xf32, #tpu.memory_space<hbm>> -> memref<4x128x64xf32, #tpu.memory_space<hbm>>
          %dma_wait3A_674 = arith.constant 0 : i32
          %dma_wait3A_675 = arith.constant 0 : i32
          %dma_wait3A_676 = arith.constant 0 : i32
          %dma_wait3A_677 = tpu.memref_slice %arg6[%dma_wait3A_662, %dma_wait3A_674, %dma_wait3A_675, %dma_wait3A_676] : memref<3x4x128x64xf32, #tpu.memory_space<vmem>> -> memref<1x4x128x64xf32, #tpu.memory_space<vmem>>
          %dma_wait3A_678 = tpu.memref_squeeze %dma_wait3A_677 : memref<1x4x128x64xf32, #tpu.memory_space<vmem>> -> memref<4x128x64xf32, #tpu.memory_space<vmem>>
          tpu.wait_dma2 semaphore(%arg10 : memref<!tpu.dma_semaphore, #tpu.memory_space<semaphore_mem>>) src(%dma_wait3A_678 : memref<4x128x64xf32, #tpu.memory_space<vmem>>) dst(%dma_wait3A_673 : memref<4x128x64xf32, #tpu.memory_space<hbm>>)
        } else {
        }
        %add3A_592 = arith.constant 2 : i32
        %add3A_593 = arith.addi %add3A_403, %add3A_592 : i32
        %mul3A_594 = arith.constant 4 : i32
        %mul3A_595 = arith.muli %add3A_593, %mul3A_594 : i32
        %add3A_596 = arith.constant 0 : i32
        %add3A_597 = arith.addi %mul3A_595, %add3A_596 : i32
        %dma_start3A_598 = arith.constant 0 : i32
        %dma_start3A_599 = arith.constant 0 : i32
        %dma_start3A_600 = arith.constant 0 : i32
        %dma_start3A_601 = arith.constant 0 : i32
        %dma_start3A_602 = tpu.memref_slice %arg6[%dma_start3A_598, %dma_start3A_599, %dma_start3A_600, %dma_start3A_601] : memref<3x4x128x64xf32, #tpu.memory_space<vmem>> -> memref<1x1x128x64xf32, #tpu.memory_space<vmem>>
        %dma_start3A_603 = tpu.memref_squeeze %dma_start3A_602 : memref<1x1x128x64xf32, #tpu.memory_space<vmem>> -> memref<128x64xf32, #tpu.memory_space<vmem>>
        %dma_start3A_604 = arith.constant 0 : i32
        %dma_start3A_605 = tpu.memref_slice %arg5[%add3A_597, %dma_start3A_604] : memref<200x128xi32, #tpu.memory_space<vmem>> -> memref<1x128xi32, #tpu.memory_space<vmem>>
        %dma_start3A_606 = tpu.memref_squeeze %dma_start3A_605 : memref<1x128xi32, #tpu.memory_space<vmem>> -> memref<128xi32, #tpu.memory_space<vmem>>
        %dma_start3A_607 = arith.constant 0 : i32
        %dma_start3A_608 = arith.constant 0 : i32
        %dma_start3A_609 = tpu.memref_slice %arg3[%dma_start3A_607, %dma_start3A_608] : memref<2000000x64xf32, #tpu.memory_space<hbm>> -> memref<2000000x64xf32, #tpu.memory_space<hbm>>
        tpu.enqueue_indirect_dma source(%dma_start3A_609 : memref<2000000x64xf32, #tpu.memory_space<hbm>>) target(%dma_start3A_603 : memref<128x64xf32, #tpu.memory_space<vmem>>) offsets(%dma_start3A_606 : memref<128xi32, #tpu.memory_space<vmem>>) semaphore(%arg7 : memref<!tpu.dma_semaphore, #tpu.memory_space<semaphore_mem>>)
        %mul3A_610 = arith.constant 4 : i32
        %mul3A_611 = arith.muli %add3A_593, %mul3A_610 : i32
        %add3A_612 = arith.constant 1 : i32
        %add3A_613 = arith.addi %mul3A_611, %add3A_612 : i32
        %dma_start3A_614 = arith.constant 0 : i32
        %dma_start3A_615 = arith.constant 1 : i32
        %dma_start3A_616 = arith.constant 0 : i32
        %dma_start3A_617 = arith.constant 0 : i32
        %dma_start3A_618 = tpu.memref_slice %arg6[%dma_start3A_614, %dma_start3A_615, %dma_start3A_616, %dma_start3A_617] : memref<3x4x128x64xf32, #tpu.memory_space<vmem>> -> memref<1x1x128x64xf32, #tpu.memory_space<vmem>>
        %dma_start3A_619 = tpu.memref_squeeze %dma_start3A_618 : memref<1x1x128x64xf32, #tpu.memory_space<vmem>> -> memref<128x64xf32, #tpu.memory_space<vmem>>
        %dma_start3A_620 = arith.constant 0 : i32
        %dma_start3A_621 = tpu.memref_slice %arg5[%add3A_613, %dma_start3A_620] : memref<200x128xi32, #tpu.memory_space<vmem>> -> memref<1x128xi32, #tpu.memory_space<vmem>>
        %dma_start3A_622 = tpu.memref_squeeze %dma_start3A_621 : memref<1x128xi32, #tpu.memory_space<vmem>> -> memref<128xi32, #tpu.memory_space<vmem>>
        %dma_start3A_623 = arith.constant 0 : i32
        %dma_start3A_624 = arith.constant 0 : i32
        %dma_start3A_625 = tpu.memref_slice %arg3[%dma_start3A_623, %dma_start3A_624] : memref<2000000x64xf32, #tpu.memory_space<hbm>> -> memref<2000000x64xf32, #tpu.memory_space<hbm>>
        tpu.enqueue_indirect_dma source(%dma_start3A_625 : memref<2000000x64xf32, #tpu.memory_space<hbm>>) target(%dma_start3A_619 : memref<128x64xf32, #tpu.memory_space<vmem>>) offsets(%dma_start3A_622 : memref<128xi32, #tpu.memory_space<vmem>>) semaphore(%arg7 : memref<!tpu.dma_semaphore, #tpu.memory_space<semaphore_mem>>)
        %mul3A_626 = arith.constant 4 : i32
        %mul3A_627 = arith.muli %add3A_593, %mul3A_626 : i32
        %add3A_628 = arith.constant 2 : i32
        %add3A_629 = arith.addi %mul3A_627, %add3A_628 : i32
        %dma_start3A_630 = arith.constant 0 : i32
        %dma_start3A_631 = arith.constant 2 : i32
        %dma_start3A_632 = arith.constant 0 : i32
        %dma_start3A_633 = arith.constant 0 : i32
        %dma_start3A_634 = tpu.memref_slice %arg6[%dma_start3A_630, %dma_start3A_631, %dma_start3A_632, %dma_start3A_633] : memref<3x4x128x64xf32, #tpu.memory_space<vmem>> -> memref<1x1x128x64xf32, #tpu.memory_space<vmem>>
        %dma_start3A_635 = tpu.memref_squeeze %dma_start3A_634 : memref<1x1x128x64xf32, #tpu.memory_space<vmem>> -> memref<128x64xf32, #tpu.memory_space<vmem>>
        %dma_start3A_636 = arith.constant 0 : i32
        %dma_start3A_637 = tpu.memref_slice %arg5[%add3A_629, %dma_start3A_636] : memref<200x128xi32, #tpu.memory_space<vmem>> -> memref<1x128xi32, #tpu.memory_space<vmem>>
        %dma_start3A_638 = tpu.memref_squeeze %dma_start3A_637 : memref<1x128xi32, #tpu.memory_space<vmem>> -> memref<128xi32, #tpu.memory_space<vmem>>
        %dma_start3A_639 = arith.constant 0 : i32
        %dma_start3A_640 = arith.constant 0 : i32
        %dma_start3A_641 = tpu.memref_slice %arg3[%dma_start3A_639, %dma_start3A_640] : memref<2000000x64xf32, #tpu.memory_space<hbm>> -> memref<2000000x64xf32, #tpu.memory_space<hbm>>
        tpu.enqueue_indirect_dma source(%dma_start3A_641 : memref<2000000x64xf32, #tpu.memory_space<hbm>>) target(%dma_start3A_635 : memref<128x64xf32, #tpu.memory_space<vmem>>) offsets(%dma_start3A_638 : memref<128xi32, #tpu.memory_space<vmem>>) semaphore(%arg7 : memref<!tpu.dma_semaphore, #tpu.memory_space<semaphore_mem>>)
        %mul3A_642 = arith.constant 4 : i32
        %mul3A_643 = arith.muli %add3A_593, %mul3A_642 : i32
        %add3A_644 = arith.constant 3 : i32
        %add3A_645 = arith.addi %mul3A_643, %add3A_644 : i32
        %dma_start3A_646 = arith.constant 0 : i32
        %dma_start3A_647 = arith.constant 3 : i32
        %dma_start3A_648 = arith.constant 0 : i32
        %dma_start3A_649 = arith.constant 0 : i32
        %dma_start3A_650 = tpu.memref_slice %arg6[%dma_start3A_646, %dma_start3A_647, %dma_start3A_648, %dma_start3A_649] : memref<3x4x128x64xf32, #tpu.memory_space<vmem>> -> memref<1x1x128x64xf32, #tpu.memory_space<vmem>>
        %dma_start3A_651 = tpu.memref_squeeze %dma_start3A_650 : memref<1x1x128x64xf32, #tpu.memory_space<vmem>> -> memref<128x64xf32, #tpu.memory_space<vmem>>
        %dma_start3A_652 = arith.constant 0 : i32
        %dma_start3A_653 = tpu.memref_slice %arg5[%add3A_645, %dma_start3A_652] : memref<200x128xi32, #tpu.memory_space<vmem>> -> memref<1x128xi32, #tpu.memory_space<vmem>>
        %dma_start3A_654 = tpu.memref_squeeze %dma_start3A_653 : memref<1x128xi32, #tpu.memory_space<vmem>> -> memref<128xi32, #tpu.memory_space<vmem>>
        %dma_start3A_655 = arith.constant 0 : i32
        %dma_start3A_656 = arith.constant 0 : i32
        %dma_start3A_657 = tpu.memref_slice %arg3[%dma_start3A_655, %dma_start3A_656] : memref<2000000x64xf32, #tpu.memory_space<hbm>> -> memref<2000000x64xf32, #tpu.memory_space<hbm>>
        tpu.enqueue_indirect_dma source(%dma_start3A_657 : memref<2000000x64xf32, #tpu.memory_space<hbm>>) target(%dma_start3A_651 : memref<128x64xf32, #tpu.memory_space<vmem>>) offsets(%dma_start3A_654 : memref<128xi32, #tpu.memory_space<vmem>>) semaphore(%arg7 : memref<!tpu.dma_semaphore, #tpu.memory_space<semaphore_mem>>)
      } else {
      }
      %mul3A_411 = arith.constant 4 : i32
      %mul3A_412 = arith.muli %add3A_403, %mul3A_411 : i32
      %add3A_413 = arith.constant 0 : i32
      %add3A_414 = arith.addi %mul3A_412, %add3A_413 : i32
      %dma_wait3A_415 = arith.constant 1 : i32
      %dma_wait3A_416 = arith.constant 0 : i32
      %dma_wait3A_417 = arith.constant 0 : i32
      %dma_wait3A_418 = arith.constant 0 : i32
      %dma_wait3A_419 = tpu.memref_slice %arg6[%dma_wait3A_415, %dma_wait3A_416, %dma_wait3A_417, %dma_wait3A_418] : memref<3x4x128x64xf32, #tpu.memory_space<vmem>> -> memref<1x1x128x64xf32, #tpu.memory_space<vmem>>
      %dma_wait3A_420 = tpu.memref_squeeze %dma_wait3A_419 : memref<1x1x128x64xf32, #tpu.memory_space<vmem>> -> memref<128x64xf32, #tpu.memory_space<vmem>>
      %dma_wait3A_421 = arith.constant 0 : i32
      %dma_wait3A_422 = tpu.memref_slice %arg5[%add3A_414, %dma_wait3A_421] : memref<200x128xi32, #tpu.memory_space<vmem>> -> memref<1x128xi32, #tpu.memory_space<vmem>>
      %dma_wait3A_423 = tpu.memref_squeeze %dma_wait3A_422 : memref<1x128xi32, #tpu.memory_space<vmem>> -> memref<128xi32, #tpu.memory_space<vmem>>
      %dma_wait3A_424 = arith.constant 0 : i32
      %dma_wait3A_425 = arith.constant 0 : i32
      %dma_wait3A_426 = tpu.memref_slice %arg3[%dma_wait3A_424, %dma_wait3A_425] : memref<2000000x64xf32, #tpu.memory_space<hbm>> -> memref<2000000x64xf32, #tpu.memory_space<hbm>>
      tpu.wait_indirect_dma semaphore(%arg8 : memref<!tpu.dma_semaphore, #tpu.memory_space<semaphore_mem>>) src(%dma_wait3A_426 : memref<2000000x64xf32, #tpu.memory_space<hbm>>) dst(%dma_wait3A_420 : memref<128x64xf32, #tpu.memory_space<vmem>>)
      %mul3A_427 = arith.constant 4 : i32
      %mul3A_428 = arith.muli %add3A_403, %mul3A_427 : i32
      %add3A_429 = arith.constant 1 : i32
      %add3A_430 = arith.addi %mul3A_428, %add3A_429 : i32
      %dma_wait3A_431 = arith.constant 1 : i32
      %dma_wait3A_432 = arith.constant 1 : i32
      %dma_wait3A_433 = arith.constant 0 : i32
      %dma_wait3A_434 = arith.constant 0 : i32
      %dma_wait3A_435 = tpu.memref_slice %arg6[%dma_wait3A_431, %dma_wait3A_432, %dma_wait3A_433, %dma_wait3A_434] : memref<3x4x128x64xf32, #tpu.memory_space<vmem>> -> memref<1x1x128x64xf32, #tpu.memory_space<vmem>>
      %dma_wait3A_436 = tpu.memref_squeeze %dma_wait3A_435 : memref<1x1x128x64xf32, #tpu.memory_space<vmem>> -> memref<128x64xf32, #tpu.memory_space<vmem>>
      %dma_wait3A_437 = arith.constant 0 : i32
      %dma_wait3A_438 = tpu.memref_slice %arg5[%add3A_430, %dma_wait3A_437] : memref<200x128xi32, #tpu.memory_space<vmem>> -> memref<1x128xi32, #tpu.memory_space<vmem>>
      %dma_wait3A_439 = tpu.memref_squeeze %dma_wait3A_438 : memref<1x128xi32, #tpu.memory_space<vmem>> -> memref<128xi32, #tpu.memory_space<vmem>>
      %dma_wait3A_440 = arith.constant 0 : i32
      %dma_wait3A_441 = arith.constant 0 : i32
      %dma_wait3A_442 = tpu.memref_slice %arg3[%dma_wait3A_440, %dma_wait3A_441] : memref<2000000x64xf32, #tpu.memory_space<hbm>> -> memref<2000000x64xf32, #tpu.memory_space<hbm>>
      tpu.wait_indirect_dma semaphore(%arg8 : memref<!tpu.dma_semaphore, #tpu.memory_space<semaphore_mem>>) src(%dma_wait3A_442 : memref<2000000x64xf32, #tpu.memory_space<hbm>>) dst(%dma_wait3A_436 : memref<128x64xf32, #tpu.memory_space<vmem>>)
      %mul3A_443 = arith.constant 4 : i32
      %mul3A_444 = arith.muli %add3A_403, %mul3A_443 : i32
      %add3A_445 = arith.constant 2 : i32
      %add3A_446 = arith.addi %mul3A_444, %add3A_445 : i32
      %dma_wait3A_447 = arith.constant 1 : i32
      %dma_wait3A_448 = arith.constant 2 : i32
      %dma_wait3A_449 = arith.constant 0 : i32
      %dma_wait3A_450 = arith.constant 0 : i32
      %dma_wait3A_451 = tpu.memref_slice %arg6[%dma_wait3A_447, %dma_wait3A_448, %dma_wait3A_449, %dma_wait3A_450] : memref<3x4x128x64xf32, #tpu.memory_space<vmem>> -> memref<1x1x128x64xf32, #tpu.memory_space<vmem>>
      %dma_wait3A_452 = tpu.memref_squeeze %dma_wait3A_451 : memref<1x1x128x64xf32, #tpu.memory_space<vmem>> -> memref<128x64xf32, #tpu.memory_space<vmem>>
      %dma_wait3A_453 = arith.constant 0 : i32
      %dma_wait3A_454 = tpu.memref_slice %arg5[%add3A_446, %dma_wait3A_453] : memref<200x128xi32, #tpu.memory_space<vmem>> -> memref<1x128xi32, #tpu.memory_space<vmem>>
      %dma_wait3A_455 = tpu.memref_squeeze %dma_wait3A_454 : memref<1x128xi32, #tpu.memory_space<vmem>> -> memref<128xi32, #tpu.memory_space<vmem>>
      %dma_wait3A_456 = arith.constant 0 : i32
      %dma_wait3A_457 = arith.constant 0 : i32
      %dma_wait3A_458 = tpu.memref_slice %arg3[%dma_wait3A_456, %dma_wait3A_457] : memref<2000000x64xf32, #tpu.memory_space<hbm>> -> memref<2000000x64xf32, #tpu.memory_space<hbm>>
      tpu.wait_indirect_dma semaphore(%arg8 : memref<!tpu.dma_semaphore, #tpu.memory_space<semaphore_mem>>) src(%dma_wait3A_458 : memref<2000000x64xf32, #tpu.memory_space<hbm>>) dst(%dma_wait3A_452 : memref<128x64xf32, #tpu.memory_space<vmem>>)
      %mul3A_459 = arith.constant 4 : i32
      %mul3A_460 = arith.muli %add3A_403, %mul3A_459 : i32
      %add3A_461 = arith.constant 3 : i32
      %add3A_462 = arith.addi %mul3A_460, %add3A_461 : i32
      %dma_wait3A_463 = arith.constant 1 : i32
      %dma_wait3A_464 = arith.constant 3 : i32
      %dma_wait3A_465 = arith.constant 0 : i32
      %dma_wait3A_466 = arith.constant 0 : i32
      %dma_wait3A_467 = tpu.memref_slice %arg6[%dma_wait3A_463, %dma_wait3A_464, %dma_wait3A_465, %dma_wait3A_466] : memref<3x4x128x64xf32, #tpu.memory_space<vmem>> -> memref<1x1x128x64xf32, #tpu.memory_space<vmem>>
      %dma_wait3A_468 = tpu.memref_squeeze %dma_wait3A_467 : memref<1x1x128x64xf32, #tpu.memory_space<vmem>> -> memref<128x64xf32, #tpu.memory_space<vmem>>
      %dma_wait3A_469 = arith.constant 0 : i32
      %dma_wait3A_470 = tpu.memref_slice %arg5[%add3A_462, %dma_wait3A_469] : memref<200x128xi32, #tpu.memory_space<vmem>> -> memref<1x128xi32, #tpu.memory_space<vmem>>
      %dma_wait3A_471 = tpu.memref_squeeze %dma_wait3A_470 : memref<1x128xi32, #tpu.memory_space<vmem>> -> memref<128xi32, #tpu.memory_space<vmem>>
      %dma_wait3A_472 = arith.constant 0 : i32
      %dma_wait3A_473 = arith.constant 0 : i32
      %dma_wait3A_474 = tpu.memref_slice %arg3[%dma_wait3A_472, %dma_wait3A_473] : memref<2000000x64xf32, #tpu.memory_space<hbm>> -> memref<2000000x64xf32, #tpu.memory_space<hbm>>
      tpu.wait_indirect_dma semaphore(%arg8 : memref<!tpu.dma_semaphore, #tpu.memory_space<semaphore_mem>>) src(%dma_wait3A_474 : memref<2000000x64xf32, #tpu.memory_space<hbm>>) dst(%dma_wait3A_468 : memref<128x64xf32, #tpu.memory_space<vmem>>)
      %mul3A_475 = arith.constant 4 : i32
      %mul3A_476 = arith.muli %add3A_403, %mul3A_475 : i32
      %add3A_477 = arith.addi %mul3A_2, %mul3A_476 : i32
      %dma_start3A_478 = arith.constant 1 : i32
      %dma_start3A_479 = arith.constant 0 : i32
      %dma_start3A_480 = arith.constant 0 : i32
      %dma_start3A_481 = arith.constant 0 : i32
      %dma_start3A_482 = tpu.memref_slice %arg6[%dma_start3A_478, %dma_start3A_479, %dma_start3A_480, %dma_start3A_481] : memref<3x4x128x64xf32, #tpu.memory_space<vmem>> -> memref<1x4x128x64xf32, #tpu.memory_space<vmem>>
      %dma_start3A_483 = tpu.memref_squeeze %dma_start3A_482 : memref<1x4x128x64xf32, #tpu.memory_space<vmem>> -> memref<4x128x64xf32, #tpu.memory_space<vmem>>
      %dma_start3A_484 = arith.constant 0 : i32
      %dma_start3A_485 = arith.constant 0 : i32
      %dma_start3A_486 = tpu.memref_slice %arg4[%add3A_477, %dma_start3A_484, %dma_start3A_485] : memref<6400x128x128xf32, #tpu.memory_space<hbm>> -> memref<4x128x64xf32, #tpu.memory_space<hbm>>
      %dma_start3A_487 = arith.constant 0 : i32
      %dma_start3A_488 = arith.constant 0 : i32
      %dma_start3A_489 = tpu.memref_slice %arg4[%add3A_477, %dma_start3A_487, %dma_start3A_488] : memref<6400x128x128xf32, #tpu.memory_space<hbm>> -> memref<4x128x64xf32, #tpu.memory_space<hbm>>
      %dma_start3A_490 = arith.constant 0 : i32
      %dma_start3A_491 = arith.constant 0 : i32
      %dma_start3A_492 = arith.constant 0 : i32
      %dma_start3A_493 = tpu.memref_slice %arg6[%dma_start3A_478, %dma_start3A_490, %dma_start3A_491, %dma_start3A_492] : memref<3x4x128x64xf32, #tpu.memory_space<vmem>> -> memref<1x4x128x64xf32, #tpu.memory_space<vmem>>
      %dma_start3A_494 = tpu.memref_squeeze %dma_start3A_493 : memref<1x4x128x64xf32, #tpu.memory_space<vmem>> -> memref<4x128x64xf32, #tpu.memory_space<vmem>>
      tpu.enqueue_dma source(%dma_start3A_494 : memref<4x128x64xf32, #tpu.memory_space<vmem>>) target(%dma_start3A_489 : memref<4x128x64xf32, #tpu.memory_space<hbm>>) target_semaphore(%arg11 : memref<!tpu.dma_semaphore, #tpu.memory_space<semaphore_mem>>)
      %add3A_495 = arith.constant 2 : i32
      %add3A_496 = arith.addi %mul3A_311, %add3A_495 : i32
      %add3A_497 = arith.constant 2 : i32
      %add3A_498 = arith.addi %add3A_496, %add3A_497 : i32
      %lt3A_499 = arith.constant 50 : i32
      %lt3A_500 = arith.cmpi slt, %add3A_498, %lt3A_499 : i32
      %convert_element_type3A_501 = arith.extui %lt3A_500 : i1 to i32
      %cond3A_502 = arith.constant 0 : i32
      %cond3A_503 = arith.cmpi ne, %convert_element_type3A_501, %cond3A_502 : i32
      scf.if %cond3A_503 {
        %ge3A = arith.constant 1 : i32
        %ge3A_588 = arith.cmpi sge, %add3A_496, %ge3A : i32
        %convert_element_type3A_589 = arith.extui %ge3A_588 : i1 to i32
        %cond3A_590 = arith.constant 0 : i32
        %cond3A_591 = arith.cmpi ne, %convert_element_type3A_589, %cond3A_590 : i32
        scf.if %cond3A_591 {
          %sub3A = arith.constant 1 : i32
          %sub3A_658 = arith.subi %add3A_496, %sub3A : i32
          %mul3A_659 = arith.constant 4 : i32
          %mul3A_660 = arith.muli %sub3A_658, %mul3A_659 : i32
          %add3A_661 = arith.addi %mul3A_2, %mul3A_660 : i32
          %dma_wait3A_662 = arith.constant 1 : i32
          %dma_wait3A_663 = arith.constant 0 : i32
          %dma_wait3A_664 = arith.constant 0 : i32
          %dma_wait3A_665 = arith.constant 0 : i32
          %dma_wait3A_666 = tpu.memref_slice %arg6[%dma_wait3A_662, %dma_wait3A_663, %dma_wait3A_664, %dma_wait3A_665] : memref<3x4x128x64xf32, #tpu.memory_space<vmem>> -> memref<1x4x128x64xf32, #tpu.memory_space<vmem>>
          %dma_wait3A_667 = tpu.memref_squeeze %dma_wait3A_666 : memref<1x4x128x64xf32, #tpu.memory_space<vmem>> -> memref<4x128x64xf32, #tpu.memory_space<vmem>>
          %dma_wait3A_668 = arith.constant 0 : i32
          %dma_wait3A_669 = arith.constant 0 : i32
          %dma_wait3A_670 = tpu.memref_slice %arg4[%add3A_661, %dma_wait3A_668, %dma_wait3A_669] : memref<6400x128x128xf32, #tpu.memory_space<hbm>> -> memref<4x128x64xf32, #tpu.memory_space<hbm>>
          %dma_wait3A_671 = arith.constant 0 : i32
          %dma_wait3A_672 = arith.constant 0 : i32
          %dma_wait3A_673 = tpu.memref_slice %arg4[%add3A_661, %dma_wait3A_671, %dma_wait3A_672] : memref<6400x128x128xf32, #tpu.memory_space<hbm>> -> memref<4x128x64xf32, #tpu.memory_space<hbm>>
          %dma_wait3A_674 = arith.constant 0 : i32
          %dma_wait3A_675 = arith.constant 0 : i32
          %dma_wait3A_676 = arith.constant 0 : i32
          %dma_wait3A_677 = tpu.memref_slice %arg6[%dma_wait3A_662, %dma_wait3A_674, %dma_wait3A_675, %dma_wait3A_676] : memref<3x4x128x64xf32, #tpu.memory_space<vmem>> -> memref<1x4x128x64xf32, #tpu.memory_space<vmem>>
          %dma_wait3A_678 = tpu.memref_squeeze %dma_wait3A_677 : memref<1x4x128x64xf32, #tpu.memory_space<vmem>> -> memref<4x128x64xf32, #tpu.memory_space<vmem>>
          tpu.wait_dma2 semaphore(%arg11 : memref<!tpu.dma_semaphore, #tpu.memory_space<semaphore_mem>>) src(%dma_wait3A_678 : memref<4x128x64xf32, #tpu.memory_space<vmem>>) dst(%dma_wait3A_673 : memref<4x128x64xf32, #tpu.memory_space<hbm>>)
        } else {
        }
        %add3A_592 = arith.constant 2 : i32
        %add3A_593 = arith.addi %add3A_496, %add3A_592 : i32
        %mul3A_594 = arith.constant 4 : i32
        %mul3A_595 = arith.muli %add3A_593, %mul3A_594 : i32
        %add3A_596 = arith.constant 0 : i32
        %add3A_597 = arith.addi %mul3A_595, %add3A_596 : i32
        %dma_start3A_598 = arith.constant 1 : i32
        %dma_start3A_599 = arith.constant 0 : i32
        %dma_start3A_600 = arith.constant 0 : i32
        %dma_start3A_601 = arith.constant 0 : i32
        %dma_start3A_602 = tpu.memref_slice %arg6[%dma_start3A_598, %dma_start3A_599, %dma_start3A_600, %dma_start3A_601] : memref<3x4x128x64xf32, #tpu.memory_space<vmem>> -> memref<1x1x128x64xf32, #tpu.memory_space<vmem>>
        %dma_start3A_603 = tpu.memref_squeeze %dma_start3A_602 : memref<1x1x128x64xf32, #tpu.memory_space<vmem>> -> memref<128x64xf32, #tpu.memory_space<vmem>>
        %dma_start3A_604 = arith.constant 0 : i32
        %dma_start3A_605 = tpu.memref_slice %arg5[%add3A_597, %dma_start3A_604] : memref<200x128xi32, #tpu.memory_space<vmem>> -> memref<1x128xi32, #tpu.memory_space<vmem>>
        %dma_start3A_606 = tpu.memref_squeeze %dma_start3A_605 : memref<1x128xi32, #tpu.memory_space<vmem>> -> memref<128xi32, #tpu.memory_space<vmem>>
        %dma_start3A_607 = arith.constant 0 : i32
        %dma_start3A_608 = arith.constant 0 : i32
        %dma_start3A_609 = tpu.memref_slice %arg3[%dma_start3A_607, %dma_start3A_608] : memref<2000000x64xf32, #tpu.memory_space<hbm>> -> memref<2000000x64xf32, #tpu.memory_space<hbm>>
        tpu.enqueue_indirect_dma source(%dma_start3A_609 : memref<2000000x64xf32, #tpu.memory_space<hbm>>) target(%dma_start3A_603 : memref<128x64xf32, #tpu.memory_space<vmem>>) offsets(%dma_start3A_606 : memref<128xi32, #tpu.memory_space<vmem>>) semaphore(%arg8 : memref<!tpu.dma_semaphore, #tpu.memory_space<semaphore_mem>>)
        %mul3A_610 = arith.constant 4 : i32
        %mul3A_611 = arith.muli %add3A_593, %mul3A_610 : i32
        %add3A_612 = arith.constant 1 : i32
        %add3A_613 = arith.addi %mul3A_611, %add3A_612 : i32
        %dma_start3A_614 = arith.constant 1 : i32
        %dma_start3A_615 = arith.constant 1 : i32
        %dma_start3A_616 = arith.constant 0 : i32
        %dma_start3A_617 = arith.constant 0 : i32
        %dma_start3A_618 = tpu.memref_slice %arg6[%dma_start3A_614, %dma_start3A_615, %dma_start3A_616, %dma_start3A_617] : memref<3x4x128x64xf32, #tpu.memory_space<vmem>> -> memref<1x1x128x64xf32, #tpu.memory_space<vmem>>
        %dma_start3A_619 = tpu.memref_squeeze %dma_start3A_618 : memref<1x1x128x64xf32, #tpu.memory_space<vmem>> -> memref<128x64xf32, #tpu.memory_space<vmem>>
        %dma_start3A_620 = arith.constant 0 : i32
        %dma_start3A_621 = tpu.memref_slice %arg5[%add3A_613, %dma_start3A_620] : memref<200x128xi32, #tpu.memory_space<vmem>> -> memref<1x128xi32, #tpu.memory_space<vmem>>
        %dma_start3A_622 = tpu.memref_squeeze %dma_start3A_621 : memref<1x128xi32, #tpu.memory_space<vmem>> -> memref<128xi32, #tpu.memory_space<vmem>>
        %dma_start3A_623 = arith.constant 0 : i32
        %dma_start3A_624 = arith.constant 0 : i32
        %dma_start3A_625 = tpu.memref_slice %arg3[%dma_start3A_623, %dma_start3A_624] : memref<2000000x64xf32, #tpu.memory_space<hbm>> -> memref<2000000x64xf32, #tpu.memory_space<hbm>>
        tpu.enqueue_indirect_dma source(%dma_start3A_625 : memref<2000000x64xf32, #tpu.memory_space<hbm>>) target(%dma_start3A_619 : memref<128x64xf32, #tpu.memory_space<vmem>>) offsets(%dma_start3A_622 : memref<128xi32, #tpu.memory_space<vmem>>) semaphore(%arg8 : memref<!tpu.dma_semaphore, #tpu.memory_space<semaphore_mem>>)
        %mul3A_626 = arith.constant 4 : i32
        %mul3A_627 = arith.muli %add3A_593, %mul3A_626 : i32
        %add3A_628 = arith.constant 2 : i32
        %add3A_629 = arith.addi %mul3A_627, %add3A_628 : i32
        %dma_start3A_630 = arith.constant 1 : i32
        %dma_start3A_631 = arith.constant 2 : i32
        %dma_start3A_632 = arith.constant 0 : i32
        %dma_start3A_633 = arith.constant 0 : i32
        %dma_start3A_634 = tpu.memref_slice %arg6[%dma_start3A_630, %dma_start3A_631, %dma_start3A_632, %dma_start3A_633] : memref<3x4x128x64xf32, #tpu.memory_space<vmem>> -> memref<1x1x128x64xf32, #tpu.memory_space<vmem>>
        %dma_start3A_635 = tpu.memref_squeeze %dma_start3A_634 : memref<1x1x128x64xf32, #tpu.memory_space<vmem>> -> memref<128x64xf32, #tpu.memory_space<vmem>>
        %dma_start3A_636 = arith.constant 0 : i32
        %dma_start3A_637 = tpu.memref_slice %arg5[%add3A_629, %dma_start3A_636] : memref<200x128xi32, #tpu.memory_space<vmem>> -> memref<1x128xi32, #tpu.memory_space<vmem>>
        %dma_start3A_638 = tpu.memref_squeeze %dma_start3A_637 : memref<1x128xi32, #tpu.memory_space<vmem>> -> memref<128xi32, #tpu.memory_space<vmem>>
        %dma_start3A_639 = arith.constant 0 : i32
        %dma_start3A_640 = arith.constant 0 : i32
        %dma_start3A_641 = tpu.memref_slice %arg3[%dma_start3A_639, %dma_start3A_640] : memref<2000000x64xf32, #tpu.memory_space<hbm>> -> memref<2000000x64xf32, #tpu.memory_space<hbm>>
        tpu.enqueue_indirect_dma source(%dma_start3A_641 : memref<2000000x64xf32, #tpu.memory_space<hbm>>) target(%dma_start3A_635 : memref<128x64xf32, #tpu.memory_space<vmem>>) offsets(%dma_start3A_638 : memref<128xi32, #tpu.memory_space<vmem>>) semaphore(%arg8 : memref<!tpu.dma_semaphore, #tpu.memory_space<semaphore_mem>>)
        %mul3A_642 = arith.constant 4 : i32
        %mul3A_643 = arith.muli %add3A_593, %mul3A_642 : i32
        %add3A_644 = arith.constant 3 : i32
        %add3A_645 = arith.addi %mul3A_643, %add3A_644 : i32
        %dma_start3A_646 = arith.constant 1 : i32
        %dma_start3A_647 = arith.constant 3 : i32
        %dma_start3A_648 = arith.constant 0 : i32
        %dma_start3A_649 = arith.constant 0 : i32
        %dma_start3A_650 = tpu.memref_slice %arg6[%dma_start3A_646, %dma_start3A_647, %dma_start3A_648, %dma_start3A_649] : memref<3x4x128x64xf32, #tpu.memory_space<vmem>> -> memref<1x1x128x64xf32, #tpu.memory_space<vmem>>
        %dma_start3A_651 = tpu.memref_squeeze %dma_start3A_650 : memref<1x1x128x64xf32, #tpu.memory_space<vmem>> -> memref<128x64xf32, #tpu.memory_space<vmem>>
        %dma_start3A_652 = arith.constant 0 : i32
        %dma_start3A_653 = tpu.memref_slice %arg5[%add3A_645, %dma_start3A_652] : memref<200x128xi32, #tpu.memory_space<vmem>> -> memref<1x128xi32, #tpu.memory_space<vmem>>
        %dma_start3A_654 = tpu.memref_squeeze %dma_start3A_653 : memref<1x128xi32, #tpu.memory_space<vmem>> -> memref<128xi32, #tpu.memory_space<vmem>>
        %dma_start3A_655 = arith.constant 0 : i32
        %dma_start3A_656 = arith.constant 0 : i32
        %dma_start3A_657 = tpu.memref_slice %arg3[%dma_start3A_655, %dma_start3A_656] : memref<2000000x64xf32, #tpu.memory_space<hbm>> -> memref<2000000x64xf32, #tpu.memory_space<hbm>>
        tpu.enqueue_indirect_dma source(%dma_start3A_657 : memref<2000000x64xf32, #tpu.memory_space<hbm>>) target(%dma_start3A_651 : memref<128x64xf32, #tpu.memory_space<vmem>>) offsets(%dma_start3A_654 : memref<128xi32, #tpu.memory_space<vmem>>) semaphore(%arg8 : memref<!tpu.dma_semaphore, #tpu.memory_space<semaphore_mem>>)
      } else {
      }
      %mul3A_504 = arith.constant 4 : i32
      %mul3A_505 = arith.muli %add3A_496, %mul3A_504 : i32
      %add3A_506 = arith.constant 0 : i32
      %add3A_507 = arith.addi %mul3A_505, %add3A_506 : i32
      %dma_wait3A_508 = arith.constant 2 : i32
      %dma_wait3A_509 = arith.constant 0 : i32
      %dma_wait3A_510 = arith.constant 0 : i32
      %dma_wait3A_511 = arith.constant 0 : i32
      %dma_wait3A_512 = tpu.memref_slice %arg6[%dma_wait3A_508, %dma_wait3A_509, %dma_wait3A_510, %dma_wait3A_511] : memref<3x4x128x64xf32, #tpu.memory_space<vmem>> -> memref<1x1x128x64xf32, #tpu.memory_space<vmem>>
      %dma_wait3A_513 = tpu.memref_squeeze %dma_wait3A_512 : memref<1x1x128x64xf32, #tpu.memory_space<vmem>> -> memref<128x64xf32, #tpu.memory_space<vmem>>
      %dma_wait3A_514 = arith.constant 0 : i32
      %dma_wait3A_515 = tpu.memref_slice %arg5[%add3A_507, %dma_wait3A_514] : memref<200x128xi32, #tpu.memory_space<vmem>> -> memref<1x128xi32, #tpu.memory_space<vmem>>
      %dma_wait3A_516 = tpu.memref_squeeze %dma_wait3A_515 : memref<1x128xi32, #tpu.memory_space<vmem>> -> memref<128xi32, #tpu.memory_space<vmem>>
      %dma_wait3A_517 = arith.constant 0 : i32
      %dma_wait3A_518 = arith.constant 0 : i32
      %dma_wait3A_519 = tpu.memref_slice %arg3[%dma_wait3A_517, %dma_wait3A_518] : memref<2000000x64xf32, #tpu.memory_space<hbm>> -> memref<2000000x64xf32, #tpu.memory_space<hbm>>
      tpu.wait_indirect_dma semaphore(%arg9 : memref<!tpu.dma_semaphore, #tpu.memory_space<semaphore_mem>>) src(%dma_wait3A_519 : memref<2000000x64xf32, #tpu.memory_space<hbm>>) dst(%dma_wait3A_513 : memref<128x64xf32, #tpu.memory_space<vmem>>)
      %mul3A_520 = arith.constant 4 : i32
      %mul3A_521 = arith.muli %add3A_496, %mul3A_520 : i32
      %add3A_522 = arith.constant 1 : i32
      %add3A_523 = arith.addi %mul3A_521, %add3A_522 : i32
      %dma_wait3A_524 = arith.constant 2 : i32
      %dma_wait3A_525 = arith.constant 1 : i32
      %dma_wait3A_526 = arith.constant 0 : i32
      %dma_wait3A_527 = arith.constant 0 : i32
      %dma_wait3A_528 = tpu.memref_slice %arg6[%dma_wait3A_524, %dma_wait3A_525, %dma_wait3A_526, %dma_wait3A_527] : memref<3x4x128x64xf32, #tpu.memory_space<vmem>> -> memref<1x1x128x64xf32, #tpu.memory_space<vmem>>
      %dma_wait3A_529 = tpu.memref_squeeze %dma_wait3A_528 : memref<1x1x128x64xf32, #tpu.memory_space<vmem>> -> memref<128x64xf32, #tpu.memory_space<vmem>>
      %dma_wait3A_530 = arith.constant 0 : i32
      %dma_wait3A_531 = tpu.memref_slice %arg5[%add3A_523, %dma_wait3A_530] : memref<200x128xi32, #tpu.memory_space<vmem>> -> memref<1x128xi32, #tpu.memory_space<vmem>>
      %dma_wait3A_532 = tpu.memref_squeeze %dma_wait3A_531 : memref<1x128xi32, #tpu.memory_space<vmem>> -> memref<128xi32, #tpu.memory_space<vmem>>
      %dma_wait3A_533 = arith.constant 0 : i32
      %dma_wait3A_534 = arith.constant 0 : i32
      %dma_wait3A_535 = tpu.memref_slice %arg3[%dma_wait3A_533, %dma_wait3A_534] : memref<2000000x64xf32, #tpu.memory_space<hbm>> -> memref<2000000x64xf32, #tpu.memory_space<hbm>>
      tpu.wait_indirect_dma semaphore(%arg9 : memref<!tpu.dma_semaphore, #tpu.memory_space<semaphore_mem>>) src(%dma_wait3A_535 : memref<2000000x64xf32, #tpu.memory_space<hbm>>) dst(%dma_wait3A_529 : memref<128x64xf32, #tpu.memory_space<vmem>>)
      %mul3A_536 = arith.constant 4 : i32
      %mul3A_537 = arith.muli %add3A_496, %mul3A_536 : i32
      %add3A_538 = arith.constant 2 : i32
      %add3A_539 = arith.addi %mul3A_537, %add3A_538 : i32
      %dma_wait3A_540 = arith.constant 2 : i32
      %dma_wait3A_541 = arith.constant 2 : i32
      %dma_wait3A_542 = arith.constant 0 : i32
      %dma_wait3A_543 = arith.constant 0 : i32
      %dma_wait3A_544 = tpu.memref_slice %arg6[%dma_wait3A_540, %dma_wait3A_541, %dma_wait3A_542, %dma_wait3A_543] : memref<3x4x128x64xf32, #tpu.memory_space<vmem>> -> memref<1x1x128x64xf32, #tpu.memory_space<vmem>>
      %dma_wait3A_545 = tpu.memref_squeeze %dma_wait3A_544 : memref<1x1x128x64xf32, #tpu.memory_space<vmem>> -> memref<128x64xf32, #tpu.memory_space<vmem>>
      %dma_wait3A_546 = arith.constant 0 : i32
      %dma_wait3A_547 = tpu.memref_slice %arg5[%add3A_539, %dma_wait3A_546] : memref<200x128xi32, #tpu.memory_space<vmem>> -> memref<1x128xi32, #tpu.memory_space<vmem>>
      %dma_wait3A_548 = tpu.memref_squeeze %dma_wait3A_547 : memref<1x128xi32, #tpu.memory_space<vmem>> -> memref<128xi32, #tpu.memory_space<vmem>>
      %dma_wait3A_549 = arith.constant 0 : i32
      %dma_wait3A_550 = arith.constant 0 : i32
      %dma_wait3A_551 = tpu.memref_slice %arg3[%dma_wait3A_549, %dma_wait3A_550] : memref<2000000x64xf32, #tpu.memory_space<hbm>> -> memref<2000000x64xf32, #tpu.memory_space<hbm>>
      tpu.wait_indirect_dma semaphore(%arg9 : memref<!tpu.dma_semaphore, #tpu.memory_space<semaphore_mem>>) src(%dma_wait3A_551 : memref<2000000x64xf32, #tpu.memory_space<hbm>>) dst(%dma_wait3A_545 : memref<128x64xf32, #tpu.memory_space<vmem>>)
      %mul3A_552 = arith.constant 4 : i32
      %mul3A_553 = arith.muli %add3A_496, %mul3A_552 : i32
      %add3A_554 = arith.constant 3 : i32
      %add3A_555 = arith.addi %mul3A_553, %add3A_554 : i32
      %dma_wait3A_556 = arith.constant 2 : i32
      %dma_wait3A_557 = arith.constant 3 : i32
      %dma_wait3A_558 = arith.constant 0 : i32
      %dma_wait3A_559 = arith.constant 0 : i32
      %dma_wait3A_560 = tpu.memref_slice %arg6[%dma_wait3A_556, %dma_wait3A_557, %dma_wait3A_558, %dma_wait3A_559] : memref<3x4x128x64xf32, #tpu.memory_space<vmem>> -> memref<1x1x128x64xf32, #tpu.memory_space<vmem>>
      %dma_wait3A_561 = tpu.memref_squeeze %dma_wait3A_560 : memref<1x1x128x64xf32, #tpu.memory_space<vmem>> -> memref<128x64xf32, #tpu.memory_space<vmem>>
      %dma_wait3A_562 = arith.constant 0 : i32
      %dma_wait3A_563 = tpu.memref_slice %arg5[%add3A_555, %dma_wait3A_562] : memref<200x128xi32, #tpu.memory_space<vmem>> -> memref<1x128xi32, #tpu.memory_space<vmem>>
      %dma_wait3A_564 = tpu.memref_squeeze %dma_wait3A_563 : memref<1x128xi32, #tpu.memory_space<vmem>> -> memref<128xi32, #tpu.memory_space<vmem>>
      %dma_wait3A_565 = arith.constant 0 : i32
      %dma_wait3A_566 = arith.constant 0 : i32
      %dma_wait3A_567 = tpu.memref_slice %arg3[%dma_wait3A_565, %dma_wait3A_566] : memref<2000000x64xf32, #tpu.memory_space<hbm>> -> memref<2000000x64xf32, #tpu.memory_space<hbm>>
      tpu.wait_indirect_dma semaphore(%arg9 : memref<!tpu.dma_semaphore, #tpu.memory_space<semaphore_mem>>) src(%dma_wait3A_567 : memref<2000000x64xf32, #tpu.memory_space<hbm>>) dst(%dma_wait3A_561 : memref<128x64xf32, #tpu.memory_space<vmem>>)
      %mul3A_568 = arith.constant 4 : i32
      %mul3A_569 = arith.muli %add3A_496, %mul3A_568 : i32
      %add3A_570 = arith.addi %mul3A_2, %mul3A_569 : i32
      %dma_start3A_571 = arith.constant 2 : i32
      %dma_start3A_572 = arith.constant 0 : i32
      %dma_start3A_573 = arith.constant 0 : i32
      %dma_start3A_574 = arith.constant 0 : i32
      %dma_start3A_575 = tpu.memref_slice %arg6[%dma_start3A_571, %dma_start3A_572, %dma_start3A_573, %dma_start3A_574] : memref<3x4x128x64xf32, #tpu.memory_space<vmem>> -> memref<1x4x128x64xf32, #tpu.memory_space<vmem>>
      %dma_start3A_576 = tpu.memref_squeeze %dma_start3A_575 : memref<1x4x128x64xf32, #tpu.memory_space<vmem>> -> memref<4x128x64xf32, #tpu.memory_space<vmem>>
      %dma_start3A_577 = arith.constant 0 : i32
      %dma_start3A_578 = arith.constant 0 : i32
      %dma_start3A_579 = tpu.memref_slice %arg4[%add3A_570, %dma_start3A_577, %dma_start3A_578] : memref<6400x128x128xf32, #tpu.memory_space<hbm>> -> memref<4x128x64xf32, #tpu.memory_space<hbm>>
      %dma_start3A_580 = arith.constant 0 : i32
      %dma_start3A_581 = arith.constant 0 : i32
      %dma_start3A_582 = tpu.memref_slice %arg4[%add3A_570, %dma_start3A_580, %dma_start3A_581] : memref<6400x128x128xf32, #tpu.memory_space<hbm>> -> memref<4x128x64xf32, #tpu.memory_space<hbm>>
      %dma_start3A_583 = arith.constant 0 : i32
      %dma_start3A_584 = arith.constant 0 : i32
      %dma_start3A_585 = arith.constant 0 : i32
      %dma_start3A_586 = tpu.memref_slice %arg6[%dma_start3A_571, %dma_start3A_583, %dma_start3A_584, %dma_start3A_585] : memref<3x4x128x64xf32, #tpu.memory_space<vmem>> -> memref<1x4x128x64xf32, #tpu.memory_space<vmem>>
      %dma_start3A_587 = tpu.memref_squeeze %dma_start3A_586 : memref<1x4x128x64xf32, #tpu.memory_space<vmem>> -> memref<4x128x64xf32, #tpu.memory_space<vmem>>
      tpu.enqueue_dma source(%dma_start3A_587 : memref<4x128x64xf32, #tpu.memory_space<vmem>>) target(%dma_start3A_582 : memref<4x128x64xf32, #tpu.memory_space<hbm>>) target_semaphore(%arg12 : memref<!tpu.dma_semaphore, #tpu.memory_space<semaphore_mem>>)
    }
    %scan3A_110 = arith.constant 16 : i32
    %dma_wait3A = arith.constant 192 : i32
    %dma_wait3A_111 = arith.constant 0 : i32
    %dma_wait3A_112 = arith.constant 0 : i32
    %dma_wait3A_113 = arith.constant 0 : i32
    %dma_wait3A_114 = arith.constant 0 : i32
    %dma_wait3A_115 = tpu.memref_slice %arg6[%dma_wait3A_111, %dma_wait3A_112, %dma_wait3A_113, %dma_wait3A_114] : memref<3x4x128x64xf32, #tpu.memory_space<vmem>> -> memref<1x1x128x64xf32, #tpu.memory_space<vmem>>
    %dma_wait3A_116 = tpu.memref_squeeze %dma_wait3A_115 : memref<1x1x128x64xf32, #tpu.memory_space<vmem>> -> memref<128x64xf32, #tpu.memory_space<vmem>>
    %dma_wait3A_117 = arith.constant 0 : i32
    %dma_wait3A_118 = tpu.memref_slice %arg5[%dma_wait3A, %dma_wait3A_117] : memref<200x128xi32, #tpu.memory_space<vmem>> -> memref<1x128xi32, #tpu.memory_space<vmem>>
    %dma_wait3A_119 = tpu.memref_squeeze %dma_wait3A_118 : memref<1x128xi32, #tpu.memory_space<vmem>> -> memref<128xi32, #tpu.memory_space<vmem>>
    %dma_wait3A_120 = arith.constant 0 : i32
    %dma_wait3A_121 = arith.constant 0 : i32
    %dma_wait3A_122 = tpu.memref_slice %arg3[%dma_wait3A_120, %dma_wait3A_121] : memref<2000000x64xf32, #tpu.memory_space<hbm>> -> memref<2000000x64xf32, #tpu.memory_space<hbm>>
    tpu.wait_indirect_dma semaphore(%arg7 : memref<!tpu.dma_semaphore, #tpu.memory_space<semaphore_mem>>) src(%dma_wait3A_122 : memref<2000000x64xf32, #tpu.memory_space<hbm>>) dst(%dma_wait3A_116 : memref<128x64xf32, #tpu.memory_space<vmem>>)
    %dma_wait3A_123 = arith.constant 193 : i32
    %dma_wait3A_124 = arith.constant 0 : i32
    %dma_wait3A_125 = arith.constant 1 : i32
    %dma_wait3A_126 = arith.constant 0 : i32
    %dma_wait3A_127 = arith.constant 0 : i32
    %dma_wait3A_128 = tpu.memref_slice %arg6[%dma_wait3A_124, %dma_wait3A_125, %dma_wait3A_126, %dma_wait3A_127] : memref<3x4x128x64xf32, #tpu.memory_space<vmem>> -> memref<1x1x128x64xf32, #tpu.memory_space<vmem>>
    %dma_wait3A_129 = tpu.memref_squeeze %dma_wait3A_128 : memref<1x1x128x64xf32, #tpu.memory_space<vmem>> -> memref<128x64xf32, #tpu.memory_space<vmem>>
    %dma_wait3A_130 = arith.constant 0 : i32
    %dma_wait3A_131 = tpu.memref_slice %arg5[%dma_wait3A_123, %dma_wait3A_130] : memref<200x128xi32, #tpu.memory_space<vmem>> -> memref<1x128xi32, #tpu.memory_space<vmem>>
    %dma_wait3A_132 = tpu.memref_squeeze %dma_wait3A_131 : memref<1x128xi32, #tpu.memory_space<vmem>> -> memref<128xi32, #tpu.memory_space<vmem>>
    %dma_wait3A_133 = arith.constant 0 : i32
    %dma_wait3A_134 = arith.constant 0 : i32
    %dma_wait3A_135 = tpu.memref_slice %arg3[%dma_wait3A_133, %dma_wait3A_134] : memref<2000000x64xf32, #tpu.memory_space<hbm>> -> memref<2000000x64xf32, #tpu.memory_space<hbm>>
    tpu.wait_indirect_dma semaphore(%arg7 : memref<!tpu.dma_semaphore, #tpu.memory_space<semaphore_mem>>) src(%dma_wait3A_135 : memref<2000000x64xf32, #tpu.memory_space<hbm>>) dst(%dma_wait3A_129 : memref<128x64xf32, #tpu.memory_space<vmem>>)
    %dma_wait3A_136 = arith.constant 194 : i32
    %dma_wait3A_137 = arith.constant 0 : i32
    %dma_wait3A_138 = arith.constant 2 : i32
    %dma_wait3A_139 = arith.constant 0 : i32
    %dma_wait3A_140 = arith.constant 0 : i32
    %dma_wait3A_141 = tpu.memref_slice %arg6[%dma_wait3A_137, %dma_wait3A_138, %dma_wait3A_139, %dma_wait3A_140] : memref<3x4x128x64xf32, #tpu.memory_space<vmem>> -> memref<1x1x128x64xf32, #tpu.memory_space<vmem>>
    %dma_wait3A_142 = tpu.memref_squeeze %dma_wait3A_141 : memref<1x1x128x64xf32, #tpu.memory_space<vmem>> -> memref<128x64xf32, #tpu.memory_space<vmem>>
    %dma_wait3A_143 = arith.constant 0 : i32
    %dma_wait3A_144 = tpu.memref_slice %arg5[%dma_wait3A_136, %dma_wait3A_143] : memref<200x128xi32, #tpu.memory_space<vmem>> -> memref<1x128xi32, #tpu.memory_space<vmem>>
    %dma_wait3A_145 = tpu.memref_squeeze %dma_wait3A_144 : memref<1x128xi32, #tpu.memory_space<vmem>> -> memref<128xi32, #tpu.memory_space<vmem>>
    %dma_wait3A_146 = arith.constant 0 : i32
    %dma_wait3A_147 = arith.constant 0 : i32
    %dma_wait3A_148 = tpu.memref_slice %arg3[%dma_wait3A_146, %dma_wait3A_147] : memref<2000000x64xf32, #tpu.memory_space<hbm>> -> memref<2000000x64xf32, #tpu.memory_space<hbm>>
    tpu.wait_indirect_dma semaphore(%arg7 : memref<!tpu.dma_semaphore, #tpu.memory_space<semaphore_mem>>) src(%dma_wait3A_148 : memref<2000000x64xf32, #tpu.memory_space<hbm>>) dst(%dma_wait3A_142 : memref<128x64xf32, #tpu.memory_space<vmem>>)
    %dma_wait3A_149 = arith.constant 195 : i32
    %dma_wait3A_150 = arith.constant 0 : i32
    %dma_wait3A_151 = arith.constant 3 : i32
    %dma_wait3A_152 = arith.constant 0 : i32
    %dma_wait3A_153 = arith.constant 0 : i32
    %dma_wait3A_154 = tpu.memref_slice %arg6[%dma_wait3A_150, %dma_wait3A_151, %dma_wait3A_152, %dma_wait3A_153] : memref<3x4x128x64xf32, #tpu.memory_space<vmem>> -> memref<1x1x128x64xf32, #tpu.memory_space<vmem>>
    %dma_wait3A_155 = tpu.memref_squeeze %dma_wait3A_154 : memref<1x1x128x64xf32, #tpu.memory_space<vmem>> -> memref<128x64xf32, #tpu.memory_space<vmem>>
    %dma_wait3A_156 = arith.constant 0 : i32
    %dma_wait3A_157 = tpu.memref_slice %arg5[%dma_wait3A_149, %dma_wait3A_156] : memref<200x128xi32, #tpu.memory_space<vmem>> -> memref<1x128xi32, #tpu.memory_space<vmem>>
    %dma_wait3A_158 = tpu.memref_squeeze %dma_wait3A_157 : memref<1x128xi32, #tpu.memory_space<vmem>> -> memref<128xi32, #tpu.memory_space<vmem>>
    %dma_wait3A_159 = arith.constant 0 : i32
    %dma_wait3A_160 = arith.constant 0 : i32
    %dma_wait3A_161 = tpu.memref_slice %arg3[%dma_wait3A_159, %dma_wait3A_160] : memref<2000000x64xf32, #tpu.memory_space<hbm>> -> memref<2000000x64xf32, #tpu.memory_space<hbm>>
    tpu.wait_indirect_dma semaphore(%arg7 : memref<!tpu.dma_semaphore, #tpu.memory_space<semaphore_mem>>) src(%dma_wait3A_161 : memref<2000000x64xf32, #tpu.memory_space<hbm>>) dst(%dma_wait3A_155 : memref<128x64xf32, #tpu.memory_space<vmem>>)
    %add3A_162 = arith.constant 192 : i32
    %add3A_163 = arith.addi %mul3A_2, %add3A_162 : i32
    %dma_start3A_164 = arith.constant 0 : i32
    %dma_start3A_165 = arith.constant 0 : i32
    %dma_start3A_166 = arith.constant 0 : i32
    %dma_start3A_167 = arith.constant 0 : i32
    %dma_start3A_168 = tpu.memref_slice %arg6[%dma_start3A_164, %dma_start3A_165, %dma_start3A_166, %dma_start3A_167] : memref<3x4x128x64xf32, #tpu.memory_space<vmem>> -> memref<1x4x128x64xf32, #tpu.memory_space<vmem>>
    %dma_start3A_169 = tpu.memref_squeeze %dma_start3A_168 : memref<1x4x128x64xf32, #tpu.memory_space<vmem>> -> memref<4x128x64xf32, #tpu.memory_space<vmem>>
    %dma_start3A_170 = arith.constant 0 : i32
    %dma_start3A_171 = arith.constant 0 : i32
    %dma_start3A_172 = tpu.memref_slice %arg4[%add3A_163, %dma_start3A_170, %dma_start3A_171] : memref<6400x128x128xf32, #tpu.memory_space<hbm>> -> memref<4x128x64xf32, #tpu.memory_space<hbm>>
    %dma_start3A_173 = arith.constant 0 : i32
    %dma_start3A_174 = arith.constant 0 : i32
    %dma_start3A_175 = tpu.memref_slice %arg4[%add3A_163, %dma_start3A_173, %dma_start3A_174] : memref<6400x128x128xf32, #tpu.memory_space<hbm>> -> memref<4x128x64xf32, #tpu.memory_space<hbm>>
    %dma_start3A_176 = arith.constant 0 : i32
    %dma_start3A_177 = arith.constant 0 : i32
    %dma_start3A_178 = arith.constant 0 : i32
    %dma_start3A_179 = tpu.memref_slice %arg6[%dma_start3A_164, %dma_start3A_176, %dma_start3A_177, %dma_start3A_178] : memref<3x4x128x64xf32, #tpu.memory_space<vmem>> -> memref<1x4x128x64xf32, #tpu.memory_space<vmem>>
    %dma_start3A_180 = tpu.memref_squeeze %dma_start3A_179 : memref<1x4x128x64xf32, #tpu.memory_space<vmem>> -> memref<4x128x64xf32, #tpu.memory_space<vmem>>
    tpu.enqueue_dma source(%dma_start3A_180 : memref<4x128x64xf32, #tpu.memory_space<vmem>>) target(%dma_start3A_175 : memref<4x128x64xf32, #tpu.memory_space<hbm>>) target_semaphore(%arg10 : memref<!tpu.dma_semaphore, #tpu.memory_space<semaphore_mem>>)
    %dma_wait3A_181 = arith.constant 196 : i32
    %dma_wait3A_182 = arith.constant 1 : i32
    %dma_wait3A_183 = arith.constant 0 : i32
    %dma_wait3A_184 = arith.constant 0 : i32
    %dma_wait3A_185 = arith.constant 0 : i32
    %dma_wait3A_186 = tpu.memref_slice %arg6[%dma_wait3A_182, %dma_wait3A_183, %dma_wait3A_184, %dma_wait3A_185] : memref<3x4x128x64xf32, #tpu.memory_space<vmem>> -> memref<1x1x128x64xf32, #tpu.memory_space<vmem>>
    %dma_wait3A_187 = tpu.memref_squeeze %dma_wait3A_186 : memref<1x1x128x64xf32, #tpu.memory_space<vmem>> -> memref<128x64xf32, #tpu.memory_space<vmem>>
    %dma_wait3A_188 = arith.constant 0 : i32
    %dma_wait3A_189 = tpu.memref_slice %arg5[%dma_wait3A_181, %dma_wait3A_188] : memref<200x128xi32, #tpu.memory_space<vmem>> -> memref<1x128xi32, #tpu.memory_space<vmem>>
    %dma_wait3A_190 = tpu.memref_squeeze %dma_wait3A_189 : memref<1x128xi32, #tpu.memory_space<vmem>> -> memref<128xi32, #tpu.memory_space<vmem>>
    %dma_wait3A_191 = arith.constant 0 : i32
    %dma_wait3A_192 = arith.constant 0 : i32
    %dma_wait3A_193 = tpu.memref_slice %arg3[%dma_wait3A_191, %dma_wait3A_192] : memref<2000000x64xf32, #tpu.memory_space<hbm>> -> memref<2000000x64xf32, #tpu.memory_space<hbm>>
    tpu.wait_indirect_dma semaphore(%arg8 : memref<!tpu.dma_semaphore, #tpu.memory_space<semaphore_mem>>) src(%dma_wait3A_193 : memref<2000000x64xf32, #tpu.memory_space<hbm>>) dst(%dma_wait3A_187 : memref<128x64xf32, #tpu.memory_space<vmem>>)
    %dma_wait3A_194 = arith.constant 197 : i32
    %dma_wait3A_195 = arith.constant 1 : i32
    %dma_wait3A_196 = arith.constant 1 : i32
    %dma_wait3A_197 = arith.constant 0 : i32
    %dma_wait3A_198 = arith.constant 0 : i32
    %dma_wait3A_199 = tpu.memref_slice %arg6[%dma_wait3A_195, %dma_wait3A_196, %dma_wait3A_197, %dma_wait3A_198] : memref<3x4x128x64xf32, #tpu.memory_space<vmem>> -> memref<1x1x128x64xf32, #tpu.memory_space<vmem>>
    %dma_wait3A_200 = tpu.memref_squeeze %dma_wait3A_199 : memref<1x1x128x64xf32, #tpu.memory_space<vmem>> -> memref<128x64xf32, #tpu.memory_space<vmem>>
    %dma_wait3A_201 = arith.constant 0 : i32
    %dma_wait3A_202 = tpu.memref_slice %arg5[%dma_wait3A_194, %dma_wait3A_201] : memref<200x128xi32, #tpu.memory_space<vmem>> -> memref<1x128xi32, #tpu.memory_space<vmem>>
    %dma_wait3A_203 = tpu.memref_squeeze %dma_wait3A_202 : memref<1x128xi32, #tpu.memory_space<vmem>> -> memref<128xi32, #tpu.memory_space<vmem>>
    %dma_wait3A_204 = arith.constant 0 : i32
    %dma_wait3A_205 = arith.constant 0 : i32
    %dma_wait3A_206 = tpu.memref_slice %arg3[%dma_wait3A_204, %dma_wait3A_205] : memref<2000000x64xf32, #tpu.memory_space<hbm>> -> memref<2000000x64xf32, #tpu.memory_space<hbm>>
    tpu.wait_indirect_dma semaphore(%arg8 : memref<!tpu.dma_semaphore, #tpu.memory_space<semaphore_mem>>) src(%dma_wait3A_206 : memref<2000000x64xf32, #tpu.memory_space<hbm>>) dst(%dma_wait3A_200 : memref<128x64xf32, #tpu.memory_space<vmem>>)
    %dma_wait3A_207 = arith.constant 198 : i32
    %dma_wait3A_208 = arith.constant 1 : i32
    %dma_wait3A_209 = arith.constant 2 : i32
    %dma_wait3A_210 = arith.constant 0 : i32
    %dma_wait3A_211 = arith.constant 0 : i32
    %dma_wait3A_212 = tpu.memref_slice %arg6[%dma_wait3A_208, %dma_wait3A_209, %dma_wait3A_210, %dma_wait3A_211] : memref<3x4x128x64xf32, #tpu.memory_space<vmem>> -> memref<1x1x128x64xf32, #tpu.memory_space<vmem>>
    %dma_wait3A_213 = tpu.memref_squeeze %dma_wait3A_212 : memref<1x1x128x64xf32, #tpu.memory_space<vmem>> -> memref<128x64xf32, #tpu.memory_space<vmem>>
    %dma_wait3A_214 = arith.constant 0 : i32
    %dma_wait3A_215 = tpu.memref_slice %arg5[%dma_wait3A_207, %dma_wait3A_214] : memref<200x128xi32, #tpu.memory_space<vmem>> -> memref<1x128xi32, #tpu.memory_space<vmem>>
    %dma_wait3A_216 = tpu.memref_squeeze %dma_wait3A_215 : memref<1x128xi32, #tpu.memory_space<vmem>> -> memref<128xi32, #tpu.memory_space<vmem>>
    %dma_wait3A_217 = arith.constant 0 : i32
    %dma_wait3A_218 = arith.constant 0 : i32
    %dma_wait3A_219 = tpu.memref_slice %arg3[%dma_wait3A_217, %dma_wait3A_218] : memref<2000000x64xf32, #tpu.memory_space<hbm>> -> memref<2000000x64xf32, #tpu.memory_space<hbm>>
    tpu.wait_indirect_dma semaphore(%arg8 : memref<!tpu.dma_semaphore, #tpu.memory_space<semaphore_mem>>) src(%dma_wait3A_219 : memref<2000000x64xf32, #tpu.memory_space<hbm>>) dst(%dma_wait3A_213 : memref<128x64xf32, #tpu.memory_space<vmem>>)
    %dma_wait3A_220 = arith.constant 199 : i32
    %dma_wait3A_221 = arith.constant 1 : i32
    %dma_wait3A_222 = arith.constant 3 : i32
    %dma_wait3A_223 = arith.constant 0 : i32
    %dma_wait3A_224 = arith.constant 0 : i32
    %dma_wait3A_225 = tpu.memref_slice %arg6[%dma_wait3A_221, %dma_wait3A_222, %dma_wait3A_223, %dma_wait3A_224] : memref<3x4x128x64xf32, #tpu.memory_space<vmem>> -> memref<1x1x128x64xf32, #tpu.memory_space<vmem>>
    %dma_wait3A_226 = tpu.memref_squeeze %dma_wait3A_225 : memref<1x1x128x64xf32, #tpu.memory_space<vmem>> -> memref<128x64xf32, #tpu.memory_space<vmem>>
    %dma_wait3A_227 = arith.constant 0 : i32
    %dma_wait3A_228 = tpu.memref_slice %arg5[%dma_wait3A_220, %dma_wait3A_227] : memref<200x128xi32, #tpu.memory_space<vmem>> -> memref<1x128xi32, #tpu.memory_space<vmem>>
    %dma_wait3A_229 = tpu.memref_squeeze %dma_wait3A_228 : memref<1x128xi32, #tpu.memory_space<vmem>> -> memref<128xi32, #tpu.memory_space<vmem>>
    %dma_wait3A_230 = arith.constant 0 : i32
    %dma_wait3A_231 = arith.constant 0 : i32
    %dma_wait3A_232 = tpu.memref_slice %arg3[%dma_wait3A_230, %dma_wait3A_231] : memref<2000000x64xf32, #tpu.memory_space<hbm>> -> memref<2000000x64xf32, #tpu.memory_space<hbm>>
    tpu.wait_indirect_dma semaphore(%arg8 : memref<!tpu.dma_semaphore, #tpu.memory_space<semaphore_mem>>) src(%dma_wait3A_232 : memref<2000000x64xf32, #tpu.memory_space<hbm>>) dst(%dma_wait3A_226 : memref<128x64xf32, #tpu.memory_space<vmem>>)
    %add3A_233 = arith.constant 196 : i32
    %add3A_234 = arith.addi %mul3A_2, %add3A_233 : i32
    %dma_start3A_235 = arith.constant 1 : i32
    %dma_start3A_236 = arith.constant 0 : i32
    %dma_start3A_237 = arith.constant 0 : i32
    %dma_start3A_238 = arith.constant 0 : i32
    %dma_start3A_239 = tpu.memref_slice %arg6[%dma_start3A_235, %dma_start3A_236, %dma_start3A_237, %dma_start3A_238] : memref<3x4x128x64xf32, #tpu.memory_space<vmem>> -> memref<1x4x128x64xf32, #tpu.memory_space<vmem>>
    %dma_start3A_240 = tpu.memref_squeeze %dma_start3A_239 : memref<1x4x128x64xf32, #tpu.memory_space<vmem>> -> memref<4x128x64xf32, #tpu.memory_space<vmem>>
    %dma_start3A_241 = arith.constant 0 : i32
    %dma_start3A_242 = arith.constant 0 : i32
    %dma_start3A_243 = tpu.memref_slice %arg4[%add3A_234, %dma_start3A_241, %dma_start3A_242] : memref<6400x128x128xf32, #tpu.memory_space<hbm>> -> memref<4x128x64xf32, #tpu.memory_space<hbm>>
    %dma_start3A_244 = arith.constant 0 : i32
    %dma_start3A_245 = arith.constant 0 : i32
    %dma_start3A_246 = tpu.memref_slice %arg4[%add3A_234, %dma_start3A_244, %dma_start3A_245] : memref<6400x128x128xf32, #tpu.memory_space<hbm>> -> memref<4x128x64xf32, #tpu.memory_space<hbm>>
    %dma_start3A_247 = arith.constant 0 : i32
    %dma_start3A_248 = arith.constant 0 : i32
    %dma_start3A_249 = arith.constant 0 : i32
    %dma_start3A_250 = tpu.memref_slice %arg6[%dma_start3A_235, %dma_start3A_247, %dma_start3A_248, %dma_start3A_249] : memref<3x4x128x64xf32, #tpu.memory_space<vmem>> -> memref<1x4x128x64xf32, #tpu.memory_space<vmem>>
    %dma_start3A_251 = tpu.memref_squeeze %dma_start3A_250 : memref<1x4x128x64xf32, #tpu.memory_space<vmem>> -> memref<4x128x64xf32, #tpu.memory_space<vmem>>
    tpu.enqueue_dma source(%dma_start3A_251 : memref<4x128x64xf32, #tpu.memory_space<vmem>>) target(%dma_start3A_246 : memref<4x128x64xf32, #tpu.memory_space<hbm>>) target_semaphore(%arg11 : memref<!tpu.dma_semaphore, #tpu.memory_space<semaphore_mem>>)
    %add3A_252 = arith.constant 188 : i32
    %add3A_253 = arith.addi %mul3A_2, %add3A_252 : i32
    %dma_wait3A_254 = arith.constant 2 : i32
    %dma_wait3A_255 = arith.constant 0 : i32
    %dma_wait3A_256 = arith.constant 0 : i32
    %dma_wait3A_257 = arith.constant 0 : i32
    %dma_wait3A_258 = tpu.memref_slice %arg6[%dma_wait3A_254, %dma_wait3A_255, %dma_wait3A_256, %dma_wait3A_257] : memref<3x4x128x64xf32, #tpu.memory_space<vmem>> -> memref<1x4x128x64xf32, #tpu.memory_space<vmem>>
    %dma_wait3A_259 = tpu.memref_squeeze %dma_wait3A_258 : memref<1x4x128x64xf32, #tpu.memory_space<vmem>> -> memref<4x128x64xf32, #tpu.memory_space<vmem>>
    %dma_wait3A_260 = arith.constant 0 : i32
    %dma_wait3A_261 = arith.constant 0 : i32
    %dma_wait3A_262 = tpu.memref_slice %arg4[%add3A_253, %dma_wait3A_260, %dma_wait3A_261] : memref<6400x128x128xf32, #tpu.memory_space<hbm>> -> memref<4x128x64xf32, #tpu.memory_space<hbm>>
    %dma_wait3A_263 = arith.constant 0 : i32
    %dma_wait3A_264 = arith.constant 0 : i32
    %dma_wait3A_265 = tpu.memref_slice %arg4[%add3A_253, %dma_wait3A_263, %dma_wait3A_264] : memref<6400x128x128xf32, #tpu.memory_space<hbm>> -> memref<4x128x64xf32, #tpu.memory_space<hbm>>
    %dma_wait3A_266 = arith.constant 0 : i32
    %dma_wait3A_267 = arith.constant 0 : i32
    %dma_wait3A_268 = arith.constant 0 : i32
    %dma_wait3A_269 = tpu.memref_slice %arg6[%dma_wait3A_254, %dma_wait3A_266, %dma_wait3A_267, %dma_wait3A_268] : memref<3x4x128x64xf32, #tpu.memory_space<vmem>> -> memref<1x4x128x64xf32, #tpu.memory_space<vmem>>
    %dma_wait3A_270 = tpu.memref_squeeze %dma_wait3A_269 : memref<1x4x128x64xf32, #tpu.memory_space<vmem>> -> memref<4x128x64xf32, #tpu.memory_space<vmem>>
    tpu.wait_dma2 semaphore(%arg12 : memref<!tpu.dma_semaphore, #tpu.memory_space<semaphore_mem>>) src(%dma_wait3A_270 : memref<4x128x64xf32, #tpu.memory_space<vmem>>) dst(%dma_wait3A_265 : memref<4x128x64xf32, #tpu.memory_space<hbm>>)
    %add3A_271 = arith.constant 192 : i32
    %add3A_272 = arith.addi %mul3A_2, %add3A_271 : i32
    %dma_wait3A_273 = arith.constant 0 : i32
    %dma_wait3A_274 = arith.constant 0 : i32
    %dma_wait3A_275 = arith.constant 0 : i32
    %dma_wait3A_276 = arith.constant 0 : i32
    %dma_wait3A_277 = tpu.memref_slice %arg6[%dma_wait3A_273, %dma_wait3A_274, %dma_wait3A_275, %dma_wait3A_276] : memref<3x4x128x64xf32, #tpu.memory_space<vmem>> -> memref<1x4x128x64xf32, #tpu.memory_space<vmem>>
    %dma_wait3A_278 = tpu.memref_squeeze %dma_wait3A_277 : memref<1x4x128x64xf32, #tpu.memory_space<vmem>> -> memref<4x128x64xf32, #tpu.memory_space<vmem>>
    %dma_wait3A_279 = arith.constant 0 : i32
    %dma_wait3A_280 = arith.constant 0 : i32
    %dma_wait3A_281 = tpu.memref_slice %arg4[%add3A_272, %dma_wait3A_279, %dma_wait3A_280] : memref<6400x128x128xf32, #tpu.memory_space<hbm>> -> memref<4x128x64xf32, #tpu.memory_space<hbm>>
    %dma_wait3A_282 = arith.constant 0 : i32
    %dma_wait3A_283 = arith.constant 0 : i32
    %dma_wait3A_284 = tpu.memref_slice %arg4[%add3A_272, %dma_wait3A_282, %dma_wait3A_283] : memref<6400x128x128xf32, #tpu.memory_space<hbm>> -> memref<4x128x64xf32, #tpu.memory_space<hbm>>
    %dma_wait3A_285 = arith.constant 0 : i32
    %dma_wait3A_286 = arith.constant 0 : i32
    %dma_wait3A_287 = arith.constant 0 : i32
    %dma_wait3A_288 = tpu.memref_slice %arg6[%dma_wait3A_273, %dma_wait3A_285, %dma_wait3A_286, %dma_wait3A_287] : memref<3x4x128x64xf32, #tpu.memory_space<vmem>> -> memref<1x4x128x64xf32, #tpu.memory_space<vmem>>
    %dma_wait3A_289 = tpu.memref_squeeze %dma_wait3A_288 : memref<1x4x128x64xf32, #tpu.memory_space<vmem>> -> memref<4x128x64xf32, #tpu.memory_space<vmem>>
    tpu.wait_dma2 semaphore(%arg10 : memref<!tpu.dma_semaphore, #tpu.memory_space<semaphore_mem>>) src(%dma_wait3A_289 : memref<4x128x64xf32, #tpu.memory_space<vmem>>) dst(%dma_wait3A_284 : memref<4x128x64xf32, #tpu.memory_space<hbm>>)
    %add3A_290 = arith.constant 196 : i32
    %add3A_291 = arith.addi %mul3A_2, %add3A_290 : i32
    %dma_wait3A_292 = arith.constant 1 : i32
    %dma_wait3A_293 = arith.constant 0 : i32
    %dma_wait3A_294 = arith.constant 0 : i32
    %dma_wait3A_295 = arith.constant 0 : i32
    %dma_wait3A_296 = tpu.memref_slice %arg6[%dma_wait3A_292, %dma_wait3A_293, %dma_wait3A_294, %dma_wait3A_295] : memref<3x4x128x64xf32, #tpu.memory_space<vmem>> -> memref<1x4x128x64xf32, #tpu.memory_space<vmem>>
    %dma_wait3A_297 = tpu.memref_squeeze %dma_wait3A_296 : memref<1x4x128x64xf32, #tpu.memory_space<vmem>> -> memref<4x128x64xf32, #tpu.memory_space<vmem>>
    %dma_wait3A_298 = arith.constant 0 : i32
    %dma_wait3A_299 = arith.constant 0 : i32
    %dma_wait3A_300 = tpu.memref_slice %arg4[%add3A_291, %dma_wait3A_298, %dma_wait3A_299] : memref<6400x128x128xf32, #tpu.memory_space<hbm>> -> memref<4x128x64xf32, #tpu.memory_space<hbm>>
    %dma_wait3A_301 = arith.constant 0 : i32
    %dma_wait3A_302 = arith.constant 0 : i32
    %dma_wait3A_303 = tpu.memref_slice %arg4[%add3A_291, %dma_wait3A_301, %dma_wait3A_302] : memref<6400x128x128xf32, #tpu.memory_space<hbm>> -> memref<4x128x64xf32, #tpu.memory_space<hbm>>
    %dma_wait3A_304 = arith.constant 0 : i32
    %dma_wait3A_305 = arith.constant 0 : i32
    %dma_wait3A_306 = arith.constant 0 : i32
    %dma_wait3A_307 = tpu.memref_slice %arg6[%dma_wait3A_292, %dma_wait3A_304, %dma_wait3A_305, %dma_wait3A_306] : memref<3x4x128x64xf32, #tpu.memory_space<vmem>> -> memref<1x4x128x64xf32, #tpu.memory_space<vmem>>
    %dma_wait3A_308 = tpu.memref_squeeze %dma_wait3A_307 : memref<1x4x128x64xf32, #tpu.memory_space<vmem>> -> memref<4x128x64xf32, #tpu.memory_space<vmem>>
    tpu.wait_dma2 semaphore(%arg11 : memref<!tpu.dma_semaphore, #tpu.memory_space<semaphore_mem>>) src(%dma_wait3A_308 : memref<4x128x64xf32, #tpu.memory_space<vmem>>) dst(%dma_wait3A_303 : memref<4x128x64xf32, #tpu.memory_space<hbm>>)
    return
  }
}

</mosaic_0001>

<sc_bundles>
// kernel: kernel.3.cloned.1.call-start
scs
__scs_entry_jumppad:
0x0: {  	(pc) =	sbr.rel $0x88, $3  }
0x1: {  	(tag) =	ssettag $0x0;
	lr =	simm.s32 $0x1  }
0x2: {  	[smem:$0x3F9F] =	sst lr;
	_ =	strace $0xD0000000  }
0x3: {  	_ = 	snop  }
0x4: {  	_ = 	snop  }
0x5: {  	_ = 	snop  }
0x6: {  	_ = 	snop  }
0x7: {  	_ = 	snop  }
__scs_overlays_trampoline_lowered:
0x8: {  	[smem:$0x3FAE] =	sst s0  }
0x9: {  	[smem:$0x3FAF] =	sst s1  }
0xa: {  	[smem:$0x3FB0] =	sst s2  }
0xb: {  	[smem:$0x3FB1] =	sst s3  }
0xc: {  	[smem:$0x3FB2] =	sst s4  }
0xd: {  	[smem:$0x3FB3] =	sst s5  }
0xe: {  	[smem:$0x3FB4] =	sst s6  }
0xf: {  	[smem:$0x3FB5] =	sst s7  }
0x10: {  	[smem:$0x3FB6] =	sst s8  }
0x11: {  	[smem:$0x3FB7] =	sst s9;
	s0 =	simm.s32 @!p0 $0x0  }
0x12: {  	s1 =	sld [smem:$0x3F9D];
	s0 =	simm.s32 @p0 $0x1  }
0x13: {  	[smem:$0x3FB8] =	sst s0;
	s0 =	simm.s32 @!p1 $0x0  }
0x14: {  	s2 =	sld [smem:$0x3F9C];
	s0 =	simm.s32 @p1 $0x1  }
0x15: {  	[smem:$0x3FB9] =	sst s0;
	s0 =	simm.s32 @!p2 $0x0  }
0x16: {  	s3 =	sld [smem:$0x3FDB];
	s0 =	simm.s32 @p2 $0x1  }
0x17: {  	s4 =	simm.s32 $0x1BF5;
	[smem:$0x3FBB] =	sst s0  }
0x18: {  	s0 =	sld [smem:$0x3F9E];
	_ =	swait.ge [sflag:s4], $0x0  }
0x19: {  	s7 =	sld [smem:$0x3F9F]  }
0x1a: {  	s8 =	sadd.s32 $0xFFFFE003, lr  }
0x1b: {  	s9 =	sadd.s32 $0xFFFFFEF7, lr;
	s5 =	simm.s32 $0xFFFFFFFF;
	p2 =	slt.u32 s8, $0xFFFFF086  }
0x1c: {  	p1 =	slt.u32 s9, $0xF7A;
	s5 =	simm.s32 @!p2 $0x0  }
0x1d: {  	s5 =	simm.s32 @p1 $0x1;
	p0 =	seq.s32 s7, s2  }
0x1e: {  	s7 =	smul.u32 @!p0 $0xF7A, s2;
	p2 =	seq.s32 @!p0 s5, $0x0  }
0x1f: {  	s9 =	smul.u32 $0xF7A, s1;
	s8 =	simm.s32 @!p0 $0x1BF5;
	p2 =	por !p2, p0  }
0x20: {  	[sflag:s8] =	ssyncset.s32 @!p0 $0xFFFFF086;
	s6 =	sadd.s32 @!p0 s3, s7;
	s7 =	simm.s32 @!p0 $0x108  }
0x21: {  	s3 =	sadd.s32 s3, s9;
	s6 =	sadd.s32 @!p0 $0x88, s6;
	s7 =	simm.s32 @p2 $0x1082  }
0x22: {  	[simem:s7], [sflag:s8] =	dma.local @!p0 [hbm:s6], $0xF7A  }
0x23: {  	s9 =	sor.u32 $0xD0000000, s2;
	s6 =	simm.s32 $0x108;
	_ =	swait.ge @!p0 [sflag:s8], $0x0  }
0x24: {  	s3 =	sadd.s32 $0x88, s3;
	s6 =	simm.s32 @!p1 $0x1082;
	[sflag:s4] =	ssyncset.s32 $0xFFFFF086  }
0x25: {  	[simem:s6], [sflag:s4] =	dma.local [hbm:s3], $0xF7A  }
0x26: {  	[smem:$0x3F9F] =	sst s1;
	(tag) =	ssettag s2;
	_ =	strace s9  }
0x27: {  	s1 =	sld [smem:$0x3FAF]  }
0x28: {  	s2 =	sld [smem:$0x3FB0]  }
0x29: {  	s4 =	sld [smem:$0x3FB2]  }
0x2a: {  	p0 =	seq.s32 s5, $0x0;
	s5 =	sld [smem:$0x3FB3]  }
0x2b: {  	s6 =	sld [smem:$0x3FB4]  }
0x2c: {  	s7 =	sld [smem:$0x3FB5]  }
0x2d: {  	s3 =	simm.s32 $0x108;
	s8 =	sld [smem:$0x3FB6]  }
0x2e: {  	s3 =	simm.s32 @!p0 $0x1082;
	s9 =	sld [smem:$0x3FB7]  }
0x2f: {  	lr =	sadd.s32 s0, s3;
	s0 =	sld [smem:$0x3FAE]  }
0x30: {  	s3 =	sld [smem:$0x3FB1]  }
0x31: {  	[smem:$0x3FBA] =	sst s10  }
0x32: {  	s10 =	sld [smem:$0x3FB8];
	_ =	sdelay $0x3  }
0x33: {  	p0 =	seq.s32 s10, $0x1;
	s10 =	sld [smem:$0x3FBA];
	_ =	sdelay $0x3  }
0x34: {  	[smem:$0x3FBA] =	sst s10  }
0x35: {  	s10 =	sld [smem:$0x3FB9];
	_ =	sdelay $0x3  }
0x36: {  	p1 =	seq.s32 s10, $0x1;
	s10 =	sld [smem:$0x3FBA];
	_ =	sdelay $0x3  }
0x37: {  	[smem:$0x3FBA] =	sst s10  }
0x38: {  	s10 =	sld [smem:$0x3FBB]  }
0x39: {  	_ = 	snop;
	(pc) =	sbr.ind lr, $3  }
0x3a: {  	_ = 	snop  }
0x3b: {  	_ = 	snop  }
0x3c: {  	p2 =	seq.s32 s10, $0x1;
	s10 =	sld [smem:$0x3FBA]  }
0x3d: {  	_ =	shalt  }
0x3e: {  	_ =	shalt  }
0x3f: {  	_ =	shalt  }
0x40: {  	_ =	shalt  }
0x41: {  	_ =	shalt  }
0x42: {  	_ =	shalt  }
0x43: {  	_ =	shalt  }
0x44: {  	_ =	shalt  }
0x45: {  	_ =	shalt  }
0x46: {  	_ =	shalt  }
0x47: {  	_ =	shalt  }
0x48: {  	_ =	shalt  }
0x49: {  	_ =	shalt  }
0x4a: {  	_ =	shalt  }
0x4b: {  	_ =	shalt  }
0x4c: {  	_ =	shalt  }
0x4d: {  	_ =	shalt  }
0x4e: {  	_ =	shalt  }
0x4f: {  	_ =	shalt  }
0x50: {  	_ =	shalt  }
0x51: {  	_ =	shalt  }
0x52: {  	_ =	shalt  }
0x53: {  	_ =	shalt  }
0x54: {  	_ =	shalt  }
0x55: {  	_ =	shalt  }
0x56: {  	_ =	shalt  }
0x57: {  	_ =	shalt  }
0x58: {  	_ =	shalt  }
0x59: {  	_ =	shalt  }
0x5a: {  	_ =	shalt  }
0x5b: {  	_ =	shalt  }
0x5c: {  	_ =	shalt  }
0x5d: {  	_ =	shalt  }
0x5e: {  	_ =	shalt  }
0x5f: {  	_ =	shalt  }
0x60: {  	_ =	shalt  }
0x61: {  	_ =	shalt  }
0x62: {  	_ =	shalt  }
0x63: {  	_ =	shalt  }
0x64: {  	_ =	shalt  }
0x65: {  	_ =	shalt  }
0x66: {  	_ =	shalt  }
0x67: {  	_ =	shalt  }
0x68: {  	_ =	shalt  }
0x69: {  	_ =	shalt  }
0x6a: {  	_ =	shalt  }
0x6b: {  	_ =	shalt  }
0x6c: {  	_ =	shalt  }
0x6d: {  	_ =	shalt  }
0x6e: {  	_ =	shalt  }
0x6f: {  	_ =	shalt  }
0x70: {  	_ =	shalt  }
0x71: {  	_ =	shalt  }
0x72: {  	_ =	shalt  }
0x73: {  	_ =	shalt  }
0x74: {  	_ =	shalt  }
0x75: {  	_ =	shalt  }
0x76: {  	_ =	shalt  }
0x77: {  	_ =	shalt  }
0x78: {  	_ =	shalt  }
0x79: {  	_ =	shalt  }
0x7a: {  	_ =	shalt  }
0x7b: {  	_ =	shalt  }
0x7c: {  	_ =	shalt  }
0x7d: {  	_ =	shalt  }
0x7e: {  	_ =	shalt  }
0x7f: {  	_ =	shalt  }
0x80: {  	_ =	shalt  }
0x81: {  	_ =	shalt  }
0x82: {  	_ =	shalt  }
0x83: {  	_ =	shalt  }
0x84: {  	_ =	shalt  }
0x85: {  	_ =	shalt  }
0x86: {  	_ =	shalt  }
0x87: {  	_ =	shalt  }
.Lfunc_end0:
.L_simem_size_0:
called_computation.2_lowered:
.L_overlay_start_0:
0x88: {  	s2 =	sld [smem:$0x3FD9]  }
0x89: {  	s3 =	sld [smem:$0x3FFE];
	_ =	sdelay $0x1  }
0x8a: {  	s1 =	srdreg.scid  }
0x8b: {  	s0 =	sand.u32 $0x1, s1  }
0x8c: {  	s17 =	sshll.u32 s0, $0xA;
	s2 =	sadd.s32 s3, s2  }
0x8d: {  	s2 =	sadd.s32 s2, s17  }
0x8e: {  	[smem:$0x3FC6] =	sst s2  }
0x8f: {  	_ = 	snop  }
0x90: {  	s2 =	sld [smem:$0x3FD0];
	(tm) =	ssettm $0x1  }
0x91: {  	s18 =	sld [smem:$0x3FFB];
	_ =	sdelay $0x3  }
0x92: {  	_ =	strace s18  }
0x93: {  	s3 =	sld [smem:$0x3FFC];
	_ =	sdelay $0x3  }
0x94: {  	_ =	strace s3  }
0x95: {  	s3 =	sld [smem:$0x3FFD];
	_ =	sdelay $0x3  }
0x96: {  	_ =	strace s3  }
0x97: {  	_ =	strace $0x8FFFFFFF  }
0x98: {  	s19 =	sld [smem:$0x3FDB];
	_ =	sdelay $0x1  }
0x99: {  	s4 =	simm.s32 $_scs_section_size  }
0x9a: {  	s5 =	simm.s32 $_size__tile_overlayer_lowered;
	s6 =	simm.s32 $_tile_overlayer_lowered  }
0x9b: {  	s22 =	simm.s32 $0x1BFF;
	s21 =	sshll.u32 s6, $0x1;
	s3 =	sadd.s32 s4, s19  }
0x9c: {  	s7 =	simm.s32 $0x0;
	s20 =	sshll.u32 s5, $0x1;
	s5 =	sadd.s32 s21, s3  }
0x9d: {  	[timem:s7], [sflag:s22] =	dma.local [hbm:s5], s20  }
0x9e: {  	_ =	swait.ge [sflag:s22], s20  }
0x9f: {  	s4 =	ssub.s32 $0x0, s20;
	[sflag:s22] =	ssyncset.done $0x0  }
0xa0: {  	[sflag:s22] =	ssyncadd.s32 s4;
	_ =	sdelay $0x1  }
0xa1: {  	s23 =	simm.s32 $0x1B8B  }
0xa2: {  	_ =	swait.ge [sflag:s23], $0x1  }
0xa3: {  	[sflag:s23] =	ssyncset.done $0x0  }
0xa4: {  	s25 =	simm.s32 $0x1B8E;
	s24 =	sld [smem:$0x3FFE];
	[sflag:s23] =	ssyncadd.s32 $0xFFFFFFFF  }
0xa5: {  	s26 =	simm.s32 $execute0_lowered;
	[smem:$0x3FD2] =	sst s25  }
0xa6: {  	s5 =	sshll.u32 s26, $0x1;
	_ =	strace $0x80000049;
	[dreg:$0x1] =	wrdreg $0xFFFFFFFF  }
0xa7: {  	s28 =	simm.s32 $_size_execute0_lowered;
	s3 =	sadd.s32 s3, s5;
	[dreg:$0x0] =	wrdreg $0x0  }
0xa8: {  	s5 =	sshll.u32 s28, $0x1;
	[dreg:$0x2] =	wrdreg s3  }
0xa9: {  	[dreg:$0x3] =	wrdreg s5  }
0xaa: {  	[dreg:$0x4] =	wrdreg $0xC0  }
0xab: {  	_ =	task [dreg:s7], $0x5FFFF  }
0xac: {  	[dreg:$0x1] =	wrdreg $0xFFFFFFFF  }
0xad: {  	[dreg:$0x0] =	wrdreg $0x60  }
0xae: {  	[dreg:$0x2] =	wrdreg s2  }
0xaf: {  	[dreg:$0x3] =	wrdreg s24  }
0xb0: {  	[dreg:$0x4] =	wrdreg $0x9  }
0xb1: {  	_ =	task.clear_ibuf [dreg:s7], $0x5FFFF;
	_ =	strace $0x90000049  }
0xb2: {  	s29 =	simm.s32 $0x9;
	_ =	strace $0x8000004B  }
0xb3: {  	_ =	swait.ge [sflag:s29], $0x1  }
0xb4: {  	[sflag:s29] =	ssyncadd.s32 $0xFFFFFFFF  }
0xb5: {  	_ =	strace $0x9000004B  }
0xb6: {  	_ =	sfence  }
0xb7: {  	s30 =	sld [smem:$0x0];
	_ =	sdelay $0x2  }
0xb8: {  	s31 =	sshll.u32 s1, $0xD;
	s1 =	sshrl.u32 s1, $0x2  }
0xb9: {  	s3 =	sand.u32 $0x4000, s31;
	s1 =	sadd.s32 s1, s30  }
0xba: {  	s0 =	sor.u32 s3, s0;
	s1 =	sshll.u32 s1, $0x11  }
0xbb: {  	s0 =	sor.u32 s1, s0  }
0xbc: {  	s0 =	sadd.s32 $0x8F2B, s0  }
0xbd: {  	[sflag:s0] =	ssyncadd.remote.s32 $0x1  }
0xbe: {  	_ =	sfence.sel $0xFFFF  }
0xbf: {  	[dreg:$0x0] =	wrdreg $0xFFFFFFFF;
	(pc) =	sbr.abs _section_cstart, $3  }
0xc0: {  	[dreg:$0x1] =	wrdreg $0xFFFFFFFF  }
0xc1: {  	_ =	task.clear_ibuf [dreg:s7], $0x2FFFF;
	_ =	strace $0x9FFFFFFF  }
0xc2: {  	(tm) =	ssettm $0x7FFFFFFF  }
0xc3: {  	_ =	shalt  }
tec
execute0_lowered:
.L_overlay_start_1:
0x0: {  	(tag) =	ssettag $0x1  }
0x1: {  	s0 =	rddreg [dreg:$0x0]  }
0x2: {  	s1 =	rddreg [dreg:$0x1];
	s2 =	srdreg.scid  }
0x3: {  	s11 =	stileid.u32;
	s4 =	simm.s32 $0x0;
	s12 =	simm.s32 $0x80  }
0x4: {  	s13 =	simm.s32 $0x6400;
	s14 =	simm.s32 $0x8400;
	s16 =	simm.s32 $0xA400  }
0x5: {  	s24 =	simm.s32 $0x18400;
	s25 =	simm.s32 $0x1A400;
	s26 =	simm.s32 $0x1C400  }
0x6: {  	s28 =	simm.s32 $0x16400;
	s29 =	simm.s32 $0x1;
	s30 =	simm.s32 $0x40  }
0x7: {  	s31 =	simm.s32 $0x4;
	s15 =	simm.s32 $0x3;
	s8 =	smul.u32 $0x190, s11  }
0x8: {  	s2 =	sand.u32 $0x1, s2;
	[smem:$0x7FF] =	sst s4;
	s10 =	smul.u32 $0x640000, s11  }
0x9: {  	s3 =	sshll.u32 s11, $0x1;
	s22 =	smul.u32 $0xC8000, s11;
	_ =	strace $0x8000004A  }
0xa: {  	s17 =	sor.u32 s2, s3;
	s3 =	sadd.s32 $0xF43200, s1;
	s9 =	smul.u32 $0xC8, s2  }
0xb: {  	s1 =	sadd.s32 $0xE00, s1;
	s19 =	smul.u32 $0x320000, s2;
	[dreg:$0x3] =	wrdreg s24  }
0xc: {  	s6 =	ssub.s32 $0x2, s2;
	s2 =	smul.u32 $0x64000, s2;
	[dreg:$0x4] =	wrdreg s25  }
0xd: {  	s24 =	simm.s32 $0x12400;
	[dreg:$0x5] =	wrdreg s26;
	s5 =	smul.u32 $0xC80, s17  }
0xe: {  	s26 =	simm.s32 $0x14400;
	s4 =	smul.u32 $0x320000, s17;
	s7 =	sshrl.u32 s6, $0x1  }
0xf: {  	s23 =	sadd.s32 s22, s1;
	s22 =	simm.s32 $0x10400;
	s6 =	ssub.s32 s6, s7  }
0x10: {  	s21 =	sadd.s32 s9, s8;
	s9 =	sadd.s32 s2, s23;
	s0 =	sadd.s32 s0, s5  }
0x11: {  	s4 =	sshrl.u32 s4, $0x3;
	s20 =	smax.u32 s6, $0x1;
	[dreg:$0x6] =	wrdreg s0  }
0x12: {  	s4 =	sadd.s32 s1, s4;
	[dreg:$0x9] =	wrdreg s20;
	s0 =	sadd.s32 s19, s10  }
0x13: {  	s20 =	simm.s32 $0xE400;
	s19 =	simm.s32 $0x0;
	s18 =	sadd.s32 $0x60000, s4  }
0x14: {  	s4 =	sadd.s32 $0x62000, s4;
	s0 =	sadd.s32 $0x20000, s0;
	[dreg:$0x7] =	wrdreg s18  }
0x15: {  	[dreg:$0x8] =	wrdreg s4;
	s4 =	sshll.u32 s21, $0xB;
	s0 =	sshrl.u32 s0, $0x3  }
0x16: {  	s18 =	simm.s32 $0xC400;
	s4 =	sadd.s32 s4, s1;
	s5 =	sadd.s32 s0, s1  }
0x17: {  	s0 =	simm.s32 $0x2;
	s1 =	simm.s32 $0x5;
	s8 =	sadd.s32 $0x2000, s4  }
.LBB2_1:
0x18: {  	s2 =	simm.s32 $0x0;
	s4 =	rddreg [dreg:$0x6];
	s17 =	simm.s32 $0x7  }
0x19: {  	[tilespmem:s2], [sflag:$0x7] =	stream.linear.gather [hbm4b:s4+s2], $0x6400, $0x38;
	[tilespmem:$0x1E400] =	vst v63  }
0x1a: {  	_ =	swait.ge [sflag:s17], $0x6400  }
0x1b: {  	[sflag:s17] =	ssyncset.done $0x0  }
0x1c: {  	[sflag:s17] =	ssyncadd.s32 $0xFFFF9C00  }
0x1d: {  	[tilespmem:s13], [sflag:$0x1] =	stream.indirect.gather [hbm4b:s3+s12], $0x40, s2, s12, $0xb8;
	[tilespmem:$0x1E400] =	vst v63  }
0x1e: {  	_ = 	snop  }
0x1f: {  	[tilespmem:s14], [sflag:$0x1] =	stream.indirect.gather [hbm4b:s3+s12], $0x40, s12, s12, $0xb8;
	[tilespmem:$0x1E400] =	vst v63  }
0x20: {  	s21 =	simm.s32 $0x100  }
0x21: {  	[tilespmem:s16], [sflag:$0x1] =	stream.indirect.gather [hbm4b:s3+s12], $0x40, s21, s12, $0xb8;
	[tilespmem:$0x1E400] =	vst v63  }
0x22: {  	s23 =	simm.s32 $0x180  }
0x23: {  	[tilespmem:s18], [sflag:$0x1] =	stream.indirect.gather [hbm4b:s3+s12], $0x40, s23, s12, $0xb8;
	[tilespmem:$0x1E400] =	vst v63  }
0x24: {  	s25 =	simm.s32 $0x200  }
0x25: {  	[tilespmem:s20], [sflag:$0x2] =	stream.indirect.gather [hbm4b:s3+s12], $0x40, s25, s12, $0xb8;
	[tilespmem:$0x1E400] =	vst v63  }
0x26: {  	s4 =	simm.s32 $0x280  }
0x27: {  	[tilespmem:s22], [sflag:$0x2] =	stream.indirect.gather [hbm4b:s3+s12], $0x40, s4, s12, $0xb8;
	[tilespmem:$0x1E400] =	vst v63  }
0x28: {  	s6 =	simm.s32 $0x300;
	p0 =	por $0x1, $0x1  }
0x29: {  	[tilespmem:s24], [sflag:$0x2] =	stream.indirect.gather [hbm4b:s3+s12], $0x40, s6, s12, $0xb8;
	[tilespmem:$0x1E400] =	vst v63  }
0x2a: {  	s7 =	simm.s32 $0x380;
	s2 =	simm.s32 @!p0 $0x6  }
0x2b: {  	[tilespmem:s26], [sflag:$0x2] =	stream.indirect.gather [hbm4b:s3+s12], $0x40, s7, s12, $0xb8;
	[tilespmem:$0x1E400] =	vst v63  }
0x2c: {  	_ =	swait.ge @!p0 [sflag:s2], $0x8000  }
0x2d: {  	[sflag:s2] =	ssyncset.done @!p0 $0x0  }
0x2e: {  	s10 =	simm.s32 $0x400;
	[sflag:s2] =	ssyncadd.s32 @!p0 $0xFFFF8000  }
0x2f: {  	[tilespmem:s28], [sflag:$0x3] =	stream.indirect.gather [hbm4b:s3+s12], $0x40, s10, s12, $0xb8;
	[tilespmem:$0x1E400] =	vst v63  }
0x30: {  	s17 =	simm.s32 $0x480;
	s11 =	rddreg [dreg:$0x3]  }
0x31: {  	[tilespmem:s11], [sflag:$0x3] =	stream.indirect.gather [hbm4b:s3+s12], $0x40, s17, s12, $0xb8;
	[tilespmem:$0x1E400] =	vst v63  }
0x32: {  	s21 =	simm.s32 $0x500;
	s6 =	rddreg [dreg:$0x4]  }
0x33: {  	[tilespmem:s6], [sflag:$0x3] =	stream.indirect.gather [hbm4b:s3+s12], $0x40, s21, s12, $0xb8;
	[tilespmem:$0x1E400] =	vst v63  }
0x34: {  	s25 =	simm.s32 $0x580;
	s23 =	rddreg [dreg:$0x5]  }
0x35: {  	[tilespmem:s23], [sflag:$0x3] =	stream.indirect.gather [hbm4b:s3+s12], $0x40, s25, s12, $0xb8;
	[tilespmem:$0x1E400] =	vst v63  }
0x36: {  	_ =	swait.ge [sflag:s29], $0x2000  }
0x37: {  	[sflag:s29] =	ssyncset.done $0x0  }
0x38: {  	[sflag:s29] =	ssyncadd.s32 $0xFFFFE000  }
0x39: {  	_ =	swait.ge [sflag:s29], $0x2000  }
0x3a: {  	[sflag:s29] =	ssyncset.done $0x0  }
0x3b: {  	[sflag:s29] =	ssyncadd.s32 $0xFFFFE000  }
0x3c: {  	_ =	swait.ge [sflag:s29], $0x2000  }
0x3d: {  	[sflag:s29] =	ssyncset.done $0x0  }
0x3e: {  	[sflag:s29] =	ssyncadd.s32 $0xFFFFE000  }
0x3f: {  	_ =	swait.ge [sflag:s29], $0x2000  }
0x40: {  	[sflag:s29] =	ssyncset.done $0x0  }
0x41: {  	[sflag:s29] =	ssyncadd.s32 $0xFFFFE000  }
0x42: {  	[hbm4b:s9+s30] =	stream.strided.scatter [tilespmem:s13], [sflag:$0x4], $0x8000, s12, s30, $0x38;
	[tilespmem:$0x1E400] =	vst v63  }
0x43: {  	_ =	swait.ge [sflag:s31], $0x8000  }
0x44: {  	[sflag:s31] =	ssyncset.done $0x0  }
0x45: {  	s6 =	simm.s32 $0x600;
	[sflag:s31] =	ssyncadd.s32 $0xFFFF8000  }
0x46: {  	[tilespmem:s13], [sflag:$0x1] =	stream.indirect.gather [hbm4b:s3+s12], $0x40, s6, s12, $0xb8;
	[tilespmem:$0x1E400] =	vst v63  }
0x47: {  	s7 =	simm.s32 $0x680  }
0x48: {  	[tilespmem:s14], [sflag:$0x1] =	stream.indirect.gather [hbm4b:s3+s12], $0x40, s7, s12, $0xb8;
	[tilespmem:$0x1E400] =	vst v63  }
0x49: {  	s10 =	simm.s32 $0x700  }
0x4a: {  	[tilespmem:s16], [sflag:$0x1] =	stream.indirect.gather [hbm4b:s3+s12], $0x40, s10, s12, $0xb8;
	[tilespmem:$0x1E400] =	vst v63  }
0x4b: {  	s11 =	simm.s32 $0x780  }
0x4c: {  	[tilespmem:s18], [sflag:$0x1] =	stream.indirect.gather [hbm4b:s3+s12], $0x40, s11, s12, $0xb8;
	[tilespmem:$0x1E400] =	vst v63  }
0x4d: {  	_ =	swait.ge [sflag:s0], $0x2000  }
0x4e: {  	[sflag:s0] =	ssyncset.done $0x0  }
0x4f: {  	[sflag:s0] =	ssyncadd.s32 $0xFFFFE000  }
0x50: {  	_ =	swait.ge [sflag:s0], $0x2000  }
0x51: {  	[sflag:s0] =	ssyncset.done $0x0  }
0x52: {  	[sflag:s0] =	ssyncadd.s32 $0xFFFFE000  }
0x53: {  	_ =	swait.ge [sflag:s0], $0x2000  }
0x54: {  	[sflag:s0] =	ssyncset.done $0x0  }
0x55: {  	[sflag:s0] =	ssyncadd.s32 $0xFFFFE000  }
0x56: {  	_ =	swait.ge [sflag:s0], $0x2000  }
0x57: {  	[sflag:s0] =	ssyncset.done $0x0  }
0x58: {  	[sflag:s0] =	ssyncadd.s32 $0xFFFFE000  }
0x59: {  	[hbm4b:s8+s30] =	stream.strided.scatter [tilespmem:s20], [sflag:$0x5], $0x8000, s12, s30, $0x38;
	[tilespmem:$0x1E400] =	vst v63  }
0x5a: {  	_ =	swait.ge [sflag:s1], $0x8000  }
0x5b: {  	[sflag:s1] =	ssyncset.done $0x0  }
0x5c: {  	s17 =	simm.s32 $0x800;
	[sflag:s1] =	ssyncadd.s32 $0xFFFF8000  }
0x5d: {  	[tilespmem:s20], [sflag:$0x2] =	stream.indirect.gather [hbm4b:s3+s12], $0x40, s17, s12, $0xb8;
	[tilespmem:$0x1E400] =	vst v63  }
0x5e: {  	s21 =	simm.s32 $0x880  }
0x5f: {  	[tilespmem:s22], [sflag:$0x2] =	stream.indirect.gather [hbm4b:s3+s12], $0x40, s21, s12, $0xb8;
	[tilespmem:$0x1E400] =	vst v63  }
0x60: {  	s23 =	simm.s32 $0x900  }
0x61: {  	[tilespmem:s24], [sflag:$0x2] =	stream.indirect.gather [hbm4b:s3+s12], $0x40, s23, s12, $0xb8;
	[tilespmem:$0x1E400] =	vst v63  }
0x62: {  	s25 =	simm.s32 $0x980  }
0x63: {  	[tilespmem:s26], [sflag:$0x2] =	stream.indirect.gather [hbm4b:s3+s12], $0x40, s25, s12, $0xb8;
	[tilespmem:$0x1E400] =	vst v63  }
0x64: {  	_ =	swait.ge [sflag:s15], $0x2000  }
0x65: {  	[sflag:s15] =	ssyncset.done $0x0  }
0x66: {  	[sflag:s15] =	ssyncadd.s32 $0xFFFFE000  }
0x67: {  	_ =	swait.ge [sflag:s15], $0x2000  }
0x68: {  	[sflag:s15] =	ssyncset.done $0x0  }
0x69: {  	[sflag:s15] =	ssyncadd.s32 $0xFFFFE000  }
0x6a: {  	_ =	swait.ge [sflag:s15], $0x2000  }
0x6b: {  	p1 =	por $0x0, $0x0;
	[sflag:s15] =	ssyncset.done $0x0  }
0x6c: {  	s4 =	simm.s32 $0x3000;
	s2 =	simm.s32 $0x1800;
	[sflag:s15] =	ssyncadd.s32 $0xFFFFE000  }
0x6d: {  	s10 =	smov.u32 s5;
	s21 =	sadd.s32 $0x6000, s5;
	_ =	swait.ge [sflag:s15], $0x2000  }
0x6e: {  	s23 =	sadd.s32 $0x6000, s8;
	s25 =	sadd.s32 $0x6000, s9;
	[sflag:s15] =	ssyncset.done $0x0  }
.LBB2_2:
0x6f: {  	s7 =	simm.s32 @!p1 $0x6;
	[sflag:s15] =	ssyncadd.s32 $0xFFFFE000  }
0x70: {  	[hbm4b:s10+s30] =	stream.strided.scatter [tilespmem:s28], [sflag:$0x6], $0x8000, s12, s30, $0x38;
	[tilespmem:$0x1E400] =	vst v63  }
0x71: {  	_ =	swait.ge @!p1 [sflag:s7], $0x8000  }
0x72: {  	s6 =	sshra.s32 s2, $0x2;
	[sflag:s7] =	ssyncset.done @!p1 $0x0  }
0x73: {  	s11 =	smov.u32 s4;
	s17 =	sadd.s32 $0x400, s6;
	[sflag:s7] =	ssyncadd.s32 @!p1 $0xFFFF8000  }
0x74: {  	[tilespmem:s28], [sflag:$0x3] =	stream.indirect.gather [hbm4b:s3+s12], $0x40, s17, s12, $0xb8;
	[tilespmem:$0x1E400] =	vst v63  }
0x75: {  	s2 =	smov.u32 s11;
	s11 =	rddreg [dreg:$0x3];
	s7 =	sadd.s32 $0x480, s6  }
0x76: {  	[tilespmem:s11], [sflag:$0x3] =	stream.indirect.gather [hbm4b:s3+s12], $0x40, s7, s12, $0xb8;
	[tilespmem:$0x1E400] =	vst v63  }
0x77: {  	s17 =	rddreg [dreg:$0x4];
	s7 =	sadd.s32 $0x500, s6  }
0x78: {  	[tilespmem:s17], [sflag:$0x3] =	stream.indirect.gather [hbm4b:s3+s12], $0x40, s7, s12, $0xb8;
	[tilespmem:$0x1E400] =	vst v63  }
0x79: {  	s11 =	rddreg [dreg:$0x5];
	s17 =	sadd.s32 $0x580, s6  }
0x7a: {  	[tilespmem:s11], [sflag:$0x3] =	stream.indirect.gather [hbm4b:s3+s12], $0x40, s17, s12, $0xb8;
	[tilespmem:$0x1E400] =	vst v63  }
0x7b: {  	_ =	swait.ge [sflag:s29], $0x2000  }
0x7c: {  	[sflag:s29] =	ssyncset.done $0x0  }
0x7d: {  	[sflag:s29] =	ssyncadd.s32 $0xFFFFE000  }
0x7e: {  	_ =	swait.ge [sflag:s29], $0x2000  }
0x7f: {  	[sflag:s29] =	ssyncset.done $0x0  }
0x80: {  	[sflag:s29] =	ssyncadd.s32 $0xFFFFE000  }
0x81: {  	_ =	swait.ge [sflag:s29], $0x2000  }
0x82: {  	[sflag:s29] =	ssyncset.done $0x0  }
0x83: {  	[sflag:s29] =	ssyncadd.s32 $0xFFFFE000  }
0x84: {  	_ =	swait.ge [sflag:s29], $0x2000  }
0x85: {  	[sflag:s29] =	ssyncset.done $0x0  }
0x86: {  	[sflag:s29] =	ssyncadd.s32 $0xFFFFE000  }
0x87: {  	[hbm4b:s25+s30] =	stream.strided.scatter [tilespmem:s13], [sflag:$0x4], $0x8000, s12, s30, $0x38;
	[tilespmem:$0x1E400] =	vst v63  }
0x88: {  	_ =	swait.ge [sflag:s31], $0x8000  }
0x89: {  	[sflag:s31] =	ssyncset.done $0x0  }
0x8a: {  	s17 =	sadd.s32 $0x600, s6;
	[sflag:s31] =	ssyncadd.s32 $0xFFFF8000  }
0x8b: {  	[tilespmem:s13], [sflag:$0x1] =	stream.indirect.gather [hbm4b:s3+s12], $0x40, s17, s12, $0xb8;
	[tilespmem:$0x1E400] =	vst v63  }
0x8c: {  	s11 =	sadd.s32 $0x680, s6  }
0x8d: {  	[tilespmem:s14], [sflag:$0x1] =	stream.indirect.gather [hbm4b:s3+s12], $0x40, s11, s12, $0xb8;
	[tilespmem:$0x1E400] =	vst v63  }
0x8e: {  	s17 =	sadd.s32 $0x700, s6  }
0x8f: {  	[tilespmem:s16], [sflag:$0x1] =	stream.indirect.gather [hbm4b:s3+s12], $0x40, s17, s12, $0xb8;
	[tilespmem:$0x1E400] =	vst v63  }
0x90: {  	s11 =	sadd.s32 $0x780, s6  }
0x91: {  	[tilespmem:s18], [sflag:$0x1] =	stream.indirect.gather [hbm4b:s3+s12], $0x40, s11, s12, $0xb8;
	[tilespmem:$0x1E400] =	vst v63  }
0x92: {  	_ =	swait.ge [sflag:s0], $0x2000  }
0x93: {  	[sflag:s0] =	ssyncset.done $0x0  }
0x94: {  	[sflag:s0] =	ssyncadd.s32 $0xFFFFE000  }
0x95: {  	_ =	swait.ge [sflag:s0], $0x2000  }
0x96: {  	[sflag:s0] =	ssyncset.done $0x0  }
0x97: {  	[sflag:s0] =	ssyncadd.s32 $0xFFFFE000  }
0x98: {  	_ =	swait.ge [sflag:s0], $0x2000  }
0x99: {  	[sflag:s0] =	ssyncset.done $0x0  }
0x9a: {  	[sflag:s0] =	ssyncadd.s32 $0xFFFFE000  }
0x9b: {  	_ =	swait.ge [sflag:s0], $0x2000  }
0x9c: {  	[sflag:s0] =	ssyncset.done $0x0  }
0x9d: {  	[sflag:s0] =	ssyncadd.s32 $0xFFFFE000  }
0x9e: {  	[hbm4b:s23+s30] =	stream.strided.scatter [tilespmem:s20], [sflag:$0x5], $0x8000, s12, s30, $0x38;
	[tilespmem:$0x1E400] =	vst v63  }
0x9f: {  	_ =	swait.ge [sflag:s1], $0x8000  }
0xa0: {  	[sflag:s1] =	ssyncset.done $0x0  }
0xa1: {  	s17 =	sadd.s32 $0x800, s6;
	[sflag:s1] =	ssyncadd.s32 $0xFFFF8000  }
0xa2: {  	[tilespmem:s20], [sflag:$0x2] =	stream.indirect.gather [hbm4b:s3+s12], $0x40, s17, s12, $0xb8;
	[tilespmem:$0x1E400] =	vst v63  }
0xa3: {  	s11 =	sadd.s32 $0x880, s6  }
0xa4: {  	[tilespmem:s22], [sflag:$0x2] =	stream.indirect.gather [hbm4b:s3+s12], $0x40, s11, s12, $0xb8;
	[tilespmem:$0x1E400] =	vst v63  }
0xa5: {  	s17 =	sadd.s32 $0x900, s6  }
0xa6: {  	[tilespmem:s24], [sflag:$0x2] =	stream.indirect.gather [hbm4b:s3+s12], $0x40, s17, s12, $0xb8;
	[tilespmem:$0x1E400] =	vst v63  }
0xa7: {  	s6 =	sadd.s32 $0x980, s6  }
0xa8: {  	[tilespmem:s26], [sflag:$0x2] =	stream.indirect.gather [hbm4b:s3+s12], $0x40, s6, s12, $0xb8;
	[tilespmem:$0x1E400] =	vst v63  }
0xa9: {  	_ =	swait.ge [sflag:s15], $0x2000  }
0xaa: {  	[sflag:s15] =	ssyncset.done $0x0  }
0xab: {  	[sflag:s15] =	ssyncadd.s32 $0xFFFFE000  }
0xac: {  	_ =	swait.ge [sflag:s15], $0x2000  }
0xad: {  	s4 =	sadd.s32 $0x1800, s4;
	[sflag:s15] =	ssyncset.done $0x0  }
0xae: {  	p0 =	sne.s32 s4, $0x18000;
	[sflag:s15] =	ssyncadd.s32 $0xFFFFE000  }
.Ltmp0:
0xaf: {  	_ =	swait.ge [sflag:s15], $0x2000;
	(pc) =	sbr.rel @p0 .LBB2_2-.Ltmp0, $4  }
0xb0: {  	[sflag:s15] =	ssyncset.done $0x0  }
0xb1: {  	s10 =	smov.u32 s21;
	[sflag:s15] =	ssyncadd.s32 $0xFFFFE000  }
0xb2: {  	s21 =	sadd.s32 $0x6000, s21;
	p1 =	seq.s32 s2, $0x0;
	_ =	swait.ge [sflag:s15], $0x2000  }
0xb3: {  	s25 =	sadd.s32 $0x6000, s25;
	s23 =	sadd.s32 $0x6000, s23;
	[sflag:s15] =	ssyncset.done $0x0  }
0xb4: {  	s4 =	simm.s32 @!p1 $0x6;
	[sflag:s15] =	ssyncadd.s32 $0xFFFFE000  }
0xb5: {  	[hbm4b:s10+s30] =	stream.strided.scatter [tilespmem:s28], [sflag:$0x6], $0x8000, s12, s30, $0x38;
	[tilespmem:$0x1E400] =	vst v63  }
0xb6: {  	_ =	swait.ge @!p1 [sflag:s4], $0x8000  }
0xb7: {  	s2 =	sshra.s32 s2, $0x2;
	[sflag:s4] =	ssyncset.done @!p1 $0x0  }
0xb8: {  	s7 =	sadd.s32 $0x400, s2;
	[sflag:s4] =	ssyncadd.s32 @!p1 $0xFFFF8000  }
0xb9: {  	[tilespmem:s28], [sflag:$0x3] =	stream.indirect.gather [hbm4b:s3+s12], $0x40, s7, s12, $0xb8;
	[tilespmem:$0x1E400] =	vst v63  }
0xba: {  	s10 =	sadd.s32 $0x480, s2;
	s6 =	rddreg [dreg:$0x3]  }
0xbb: {  	[tilespmem:s6], [sflag:$0x3] =	stream.indirect.gather [hbm4b:s3+s12], $0x40, s10, s12, $0xb8;
	[tilespmem:$0x1E400] =	vst v63  }
0xbc: {  	s11 =	sadd.s32 $0x500, s2;
	s7 =	rddreg [dreg:$0x4]  }
0xbd: {  	[tilespmem:s7], [sflag:$0x3] =	stream.indirect.gather [hbm4b:s3+s12], $0x40, s11, s12, $0xb8;
	[tilespmem:$0x1E400] =	vst v63  }
0xbe: {  	s17 =	rddreg [dreg:$0x5];
	s10 =	sadd.s32 $0x580, s2  }
0xbf: {  	[tilespmem:s17], [sflag:$0x3] =	stream.indirect.gather [hbm4b:s3+s12], $0x40, s10, s12, $0xb8;
	[tilespmem:$0x1E400] =	vst v63  }
0xc0: {  	_ =	swait.ge [sflag:s29], $0x2000  }
0xc1: {  	[sflag:s29] =	ssyncset.done $0x0  }
0xc2: {  	[sflag:s29] =	ssyncadd.s32 $0xFFFFE000  }
0xc3: {  	_ =	swait.ge [sflag:s29], $0x2000  }
0xc4: {  	[sflag:s29] =	ssyncset.done $0x0  }
0xc5: {  	[sflag:s29] =	ssyncadd.s32 $0xFFFFE000  }
0xc6: {  	_ =	swait.ge [sflag:s29], $0x2000  }
0xc7: {  	[sflag:s29] =	ssyncset.done $0x0  }
0xc8: {  	[sflag:s29] =	ssyncadd.s32 $0xFFFFE000  }
0xc9: {  	_ =	swait.ge [sflag:s29], $0x2000  }
0xca: {  	[sflag:s29] =	ssyncset.done $0x0  }
0xcb: {  	[sflag:s29] =	ssyncadd.s32 $0xFFFFE000  }
0xcc: {  	[hbm4b:s25+s30] =	stream.strided.scatter [tilespmem:s13], [sflag:$0x4], $0x8000, s12, s30, $0x38;
	[tilespmem:$0x1E400] =	vst v63  }
0xcd: {  	_ =	swait.ge [sflag:s31], $0x8000  }
0xce: {  	[sflag:s31] =	ssyncset.done $0x0  }
0xcf: {  	s11 =	sadd.s32 $0x600, s2;
	[sflag:s31] =	ssyncadd.s32 $0xFFFF8000  }
0xd0: {  	[tilespmem:s13], [sflag:$0x1] =	stream.indirect.gather [hbm4b:s3+s12], $0x40, s11, s12, $0xb8;
	[tilespmem:$0x1E400] =	vst v63  }
0xd1: {  	s17 =	sadd.s32 $0x680, s2  }
0xd2: {  	[tilespmem:s14], [sflag:$0x1] =	stream.indirect.gather [hbm4b:s3+s12], $0x40, s17, s12, $0xb8;
	[tilespmem:$0x1E400] =	vst v63  }
0xd3: {  	s25 =	sadd.s32 $0x700, s2  }
0xd4: {  	[tilespmem:s16], [sflag:$0x1] =	stream.indirect.gather [hbm4b:s3+s12], $0x40, s25, s12, $0xb8;
	[tilespmem:$0x1E400] =	vst v63  }
0xd5: {  	s6 =	sadd.s32 $0x780, s2  }
0xd6: {  	[tilespmem:s18], [sflag:$0x1] =	stream.indirect.gather [hbm4b:s3+s12], $0x40, s6, s12, $0xb8;
	[tilespmem:$0x1E400] =	vst v63  }
0xd7: {  	_ =	swait.ge [sflag:s0], $0x2000  }
0xd8: {  	[sflag:s0] =	ssyncset.done $0x0  }
0xd9: {  	[sflag:s0] =	ssyncadd.s32 $0xFFFFE000  }
0xda: {  	_ =	swait.ge [sflag:s0], $0x2000  }
0xdb: {  	[sflag:s0] =	ssyncset.done $0x0  }
0xdc: {  	[sflag:s0] =	ssyncadd.s32 $0xFFFFE000  }
0xdd: {  	_ =	swait.ge [sflag:s0], $0x2000  }
0xde: {  	[sflag:s0] =	ssyncset.done $0x0  }
0xdf: {  	[sflag:s0] =	ssyncadd.s32 $0xFFFFE000  }
0xe0: {  	_ =	swait.ge [sflag:s0], $0x2000  }
0xe1: {  	[sflag:s0] =	ssyncset.done $0x0  }
0xe2: {  	[sflag:s0] =	ssyncadd.s32 $0xFFFFE000  }
0xe3: {  	[hbm4b:s23+s30] =	stream.strided.scatter [tilespmem:s20], [sflag:$0x5], $0x8000, s12, s30, $0x38;
	[tilespmem:$0x1E400] =	vst v63  }
0xe4: {  	_ =	swait.ge [sflag:s1], $0x8000  }
0xe5: {  	[sflag:s1] =	ssyncset.done $0x0  }
0xe6: {  	s7 =	sadd.s32 $0x800, s2;
	[sflag:s1] =	ssyncadd.s32 $0xFFFF8000  }
0xe7: {  	[tilespmem:s20], [sflag:$0x2] =	stream.indirect.gather [hbm4b:s3+s12], $0x40, s7, s12, $0xb8;
	[tilespmem:$0x1E400] =	vst v63  }
0xe8: {  	s10 =	sadd.s32 $0x880, s2  }
0xe9: {  	[tilespmem:s22], [sflag:$0x2] =	stream.indirect.gather [hbm4b:s3+s12], $0x40, s10, s12, $0xb8;
	[tilespmem:$0x1E400] =	vst v63  }
0xea: {  	s11 =	sadd.s32 $0x900, s2  }
0xeb: {  	[tilespmem:s24], [sflag:$0x2] =	stream.indirect.gather [hbm4b:s3+s12], $0x40, s11, s12, $0xb8;
	[tilespmem:$0x1E400] =	vst v63  }
0xec: {  	s2 =	sadd.s32 $0x980, s2  }
0xed: {  	[tilespmem:s26], [sflag:$0x2] =	stream.indirect.gather [hbm4b:s3+s12], $0x40, s2, s12, $0xb8;
	[tilespmem:$0x1E400] =	vst v63  }
0xee: {  	_ =	swait.ge [sflag:s15], $0x2000  }
0xef: {  	[sflag:s15] =	ssyncset.done $0x0  }
0xf0: {  	[sflag:s15] =	ssyncadd.s32 $0xFFFFE000  }
0xf1: {  	_ =	swait.ge [sflag:s15], $0x2000  }
0xf2: {  	[sflag:s15] =	ssyncset.done $0x0  }
0xf3: {  	[sflag:s15] =	ssyncadd.s32 $0xFFFFE000  }
0xf4: {  	_ =	swait.ge [sflag:s15], $0x2000  }
0xf5: {  	[sflag:s15] =	ssyncset.done $0x0  }
0xf6: {  	[sflag:s15] =	ssyncadd.s32 $0xFFFFE000  }
0xf7: {  	_ =	swait.ge [sflag:s15], $0x2000  }
0xf8: {  	[sflag:s15] =	ssyncset.done $0x0  }
0xf9: {  	[sflag:s15] =	ssyncadd.s32 $0xFFFFE000  }
0xfa: {  	[hbm4b:s21+s30] =	stream.strided.scatter [tilespmem:s28], [sflag:$0x6], $0x8000, s12, s30, $0x38;
	[tilespmem:$0x1E400] =	vst v63  }
0xfb: {  	_ =	swait.ge [sflag:s29], $0x2000  }
0xfc: {  	[sflag:s29] =	ssyncset.done $0x0  }
0xfd: {  	[sflag:s29] =	ssyncadd.s32 $0xFFFFE000  }
0xfe: {  	_ =	swait.ge [sflag:s29], $0x2000  }
0xff: {  	[sflag:s29] =	ssyncset.done $0x0  }
0x100: {  	[sflag:s29] =	ssyncadd.s32 $0xFFFFE000  }
0x101: {  	_ =	swait.ge [sflag:s29], $0x2000  }
0x102: {  	[sflag:s29] =	ssyncset.done $0x0  }
0x103: {  	[sflag:s29] =	ssyncadd.s32 $0xFFFFE000  }
0x104: {  	_ =	swait.ge [sflag:s29], $0x2000  }
0x105: {  	[sflag:s29] =	ssyncset.done $0x0  }
0x106: {  	s17 =	rddreg [dreg:$0x7];
	[sflag:s29] =	ssyncadd.s32 $0xFFFFE000  }
0x107: {  	[hbm4b:s17+s30] =	stream.strided.scatter [tilespmem:s13], [sflag:$0x4], $0x8000, s12, s30, $0x38;
	[tilespmem:$0x1E400] =	vst v63  }
0x108: {  	_ =	swait.ge [sflag:s0], $0x2000  }
0x109: {  	[sflag:s0] =	ssyncset.done $0x0  }
0x10a: {  	[sflag:s0] =	ssyncadd.s32 $0xFFFFE000  }
0x10b: {  	_ =	swait.ge [sflag:s0], $0x2000  }
0x10c: {  	[sflag:s0] =	ssyncset.done $0x0  }
0x10d: {  	[sflag:s0] =	ssyncadd.s32 $0xFFFFE000  }
0x10e: {  	_ =	swait.ge [sflag:s0], $0x2000  }
0x10f: {  	[sflag:s0] =	ssyncset.done $0x0  }
0x110: {  	[sflag:s0] =	ssyncadd.s32 $0xFFFFE000  }
0x111: {  	_ =	swait.ge [sflag:s0], $0x2000  }
0x112: {  	[sflag:s0] =	ssyncset.done $0x0  }
0x113: {  	s23 =	simm.s32 $0x6;
	s21 =	rddreg [dreg:$0x8];
	[sflag:s0] =	ssyncadd.s32 $0xFFFFE000  }
0x114: {  	[hbm4b:s21+s30] =	stream.strided.scatter [tilespmem:s20], [sflag:$0x5], $0x8000, s12, s30, $0x38;
	[tilespmem:$0x1E400] =	vst v63  }
0x115: {  	_ =	swait.ge [sflag:s23], $0x8000  }
0x116: {  	[sflag:s23] =	ssyncset.done $0x0  }
0x117: {  	[sflag:s23] =	ssyncadd.s32 $0xFFFF8000  }
0x118: {  	_ =	swait.ge [sflag:s31], $0x8000  }
0x119: {  	[sflag:s31] =	ssyncset.done $0x0  }
0x11a: {  	[sflag:s31] =	ssyncadd.s32 $0xFFFF8000  }
0x11b: {  	_ =	swait.ge [sflag:s1], $0x8000  }
0x11c: {  	s19 =	sadd.s32 $0x1, s19;
	s25 =	rddreg [dreg:$0x9]  }
0x11d: {  	p0 =	sne.s32 s19, s25  }
.Ltmp1:
0x11e: {  	_ = 	snop;
	(pc) =	sbr.rel @p0 .LBB2_1-.Ltmp1, $3  }
0x11f: {  	_ =	sdelay $0x1  }
0x120: {  	[sflag:s1] =	ssyncset.done $0x0  }
0x121: {  	[sflag:s1] =	ssyncadd.s32 $0xFFFF8000  }
0x122: {  	_ =	sfence.sel $0x180000  }
0x123: {  	[bflag:$0x0] =	sbarrier.arrive $0xFFFF  }
0x124: {  	_ =	strace $0x9000004A  }
0x125: {  	s0 =	stileid.u32;
	[bflag:$0x2] =	sbarrier.arrive $0xFFFF  }
0x126: {  	p0 =	sne.s32 s0, $0x0;
	s0 =	rddreg [dreg:$0x2]  }
0x127: {  	s0 =	sadd.s32 @!p0 $0x100000, s0  }
0x128: {  	[sflag:s0] =	ssyncadd.tile.s32 @!p0 $0x1;
	_ =	shalt  }
.Lfunc_end2:
_tile_overlayer_lowered:
.L_overlay_start_2:
0x129: {  	(tag) =	ssettag $0x2  }
0x12a: {  	s0 =	rddreg [dreg:$0x0];
	s2 =	stileid.u32  }
0x12b: {  	s1 =	rddreg [dreg:$0x1];
	p0 =	sne.s32 s2, $0x0  }
0x12c: {  	s3 =	rddreg [dreg:$0x2];
	[bflag:$0x3] =	sbarrier.arrive $0xFFFF;
	s2 =	simm.s32 @!p0 $0x1C07  }
0x12d: {  	[timem:s3], [sflag:s2] =	dma.local @!p0 [hbm:s0], s1  }
0x12e: {  	s0 =	simm.s32 @!p0 $0x7  }
0x12f: {  	_ =	swait.ge @!p0 [sflag:s0], s1  }
0x130: {  	s1 =	ssub.s32 @!p0 $0x0, s1;
	[sflag:s0] =	ssyncset.done @!p0 $0x0  }
0x131: {  	[sflag:s0] =	ssyncadd.s32 @!p0 s1  }
0x132: {  	[bflag:$0x3] =	sbarrier.arrive $0xFFFF  }
0x133: {  	_ =	shalt  }

// kernel: sparse-core-data-format-call.1.cloned.1.call-start
scs
called_computation.1_lowered:
.L_overlay_start_0:
0x0: {  	s2 =	sld [smem:$0x3FD9]  }
0x1: {  	s3 =	sld [smem:$0x3FFE];
	_ =	sdelay $0x1  }
0x2: {  	s1 =	srdreg.scid  }
0x3: {  	s0 =	sand.u32 $0x1, s1  }
0x4: {  	s18 =	sshll.u32 s0, $0xA;
	s2 =	sadd.s32 s3, s2  }
0x5: {  	s2 =	sadd.s32 s2, s18  }
0x6: {  	[smem:$0x3FC6] =	sst s2  }
0x7: {  	_ = 	snop  }
0x8: {  	s2 =	sld [smem:$0x3FC8];
	(tm) =	ssettm $0x1  }
0x9: {  	s19 =	sld [smem:$0x3FFB];
	_ =	sdelay $0x3  }
0xa: {  	_ =	strace s19  }
0xb: {  	s3 =	sld [smem:$0x3FFC];
	_ =	sdelay $0x3  }
0xc: {  	_ =	strace s3  }
0xd: {  	s3 =	sld [smem:$0x3FFD];
	_ =	sdelay $0x3  }
0xe: {  	_ =	strace s3  }
0xf: {  	_ =	strace $0x8FFFFFFF  }
0x10: {  	s20 =	sld [smem:$0x3FDB];
	_ =	sdelay $0x1  }
0x11: {  	s4 =	simm.s32 $_scs_section_size  }
0x12: {  	s5 =	simm.s32 $_size__tile_overlayer_lowered;
	s6 =	simm.s32 $_tile_overlayer_lowered  }
0x13: {  	s23 =	simm.s32 $0x1BFF;
	s22 =	sshll.u32 s6, $0x1;
	s3 =	sadd.s32 s4, s20  }
0x14: {  	s7 =	simm.s32 $0x0;
	s21 =	sshll.u32 s5, $0x1;
	s5 =	sadd.s32 s22, s3  }
0x15: {  	[timem:s7], [sflag:s23] =	dma.local [hbm:s5], s21  }
0x16: {  	_ =	swait.ge [sflag:s23], s21  }
0x17: {  	s4 =	ssub.s32 $0x0, s21;
	[sflag:s23] =	ssyncset.done $0x0  }
0x18: {  	[sflag:s23] =	ssyncadd.s32 s4;
	_ =	sdelay $0x1  }
0x19: {  	s24 =	simm.s32 $0x1B8B  }
0x1a: {  	_ =	swait.ge [sflag:s24], $0x1  }
0x1b: {  	[sflag:s24] =	ssyncset.done $0x0  }
0x1c: {  	s26 =	simm.s32 $0x1B8E;
	s25 =	sld [smem:$0x3FFE];
	[sflag:s24] =	ssyncadd.s32 $0xFFFFFFFF  }
0x1d: {  	s27 =	simm.s32 $execute0_lowered;
	[smem:$0x3FD2] =	sst s26  }
0x1e: {  	s5 =	sshll.u32 s27, $0x1;
	_ =	strace $0x80000046;
	[dreg:$0x1] =	wrdreg $0xFFFFFFFF  }
0x1f: {  	s28 =	simm.s32 $_size_execute0_lowered;
	s3 =	sadd.s32 s3, s5;
	[dreg:$0x0] =	wrdreg $0x0  }
0x20: {  	s5 =	sshll.u32 s28, $0x1;
	[dreg:$0x2] =	wrdreg s3  }
0x21: {  	[dreg:$0x3] =	wrdreg s5  }
0x22: {  	[dreg:$0x4] =	wrdreg $0xC0  }
0x23: {  	_ =	task [dreg:s7], $0x5FFFF  }
0x24: {  	[dreg:$0x1] =	wrdreg $0xFFFFFFFF  }
0x25: {  	[dreg:$0x0] =	wrdreg $0x60  }
0x26: {  	[dreg:$0x2] =	wrdreg s2  }
0x27: {  	[dreg:$0x3] =	wrdreg s25  }
0x28: {  	[dreg:$0x4] =	wrdreg $0x9  }
0x29: {  	_ =	task.clear_ibuf [dreg:s7], $0x5FFFF;
	_ =	strace $0x90000046  }
0x2a: {  	s29 =	simm.s32 $0x9;
	_ =	strace $0x80000048  }
0x2b: {  	_ =	swait.ge [sflag:s29], $0x1  }
0x2c: {  	[sflag:s29] =	ssyncadd.s32 $0xFFFFFFFF  }
0x2d: {  	_ =	strace $0x90000048  }
0x2e: {  	_ =	sfence  }
0x2f: {  	s30 =	sld [smem:$0x0];
	_ =	sdelay $0x2  }
0x30: {  	s31 =	sshll.u32 s1, $0xD;
	s1 =	sshrl.u32 s1, $0x2  }
0x31: {  	s3 =	sand.u32 $0x4000, s31;
	s1 =	sadd.s32 s1, s30  }
0x32: {  	s0 =	sor.u32 s3, s0;
	s1 =	sshll.u32 s1, $0x11  }
0x33: {  	s0 =	sor.u32 s1, s0  }
0x34: {  	s0 =	sadd.s32 $0x8F2B, s0  }
0x35: {  	[sflag:s0] =	ssyncadd.remote.s32 $0x1  }
0x36: {  	_ =	sfence.sel $0xFFFF  }
0x37: {  	[dreg:$0x0] =	wrdreg $0xFFFFFFFF;
	(pc) =	sbr.abs _section_cstart, $3  }
0x38: {  	[dreg:$0x1] =	wrdreg $0xFFFFFFFF  }
0x39: {  	_ =	task.clear_ibuf [dreg:s7], $0x2FFFF;
	_ =	strace $0x9FFFFFFF  }
0x3a: {  	(tm) =	ssettm $0x7FFFFFFF  }
0x3b: {  	_ =	shalt  }
tec
execute0_lowered:
.L_overlay_start_1:
0x0: {  	(tag) =	ssettag $0x1  }
0x1: {  	s0 =	srdreg.scid;
	s2 =	rddreg [dreg:$0x0]  }
0x2: {  	s5 =	rddreg [dreg:$0x1];
	s1 =	stileid.u32  }
0x3: {  	s4 =	simm.s32 $0x1;
	s6 =	simm.s32 $0x2;
	s15 =	simm.s32 $0x0  }
0x4: {  	p0 =	por $0x0, $0x0;
	s8 =	simm.s32 $0x80;
	s0 =	sshll.u32 s0, $0x4  }
0x5: {  	s14 =	simm.s32 $0x0;
	s9 =	simm.s32 $0x0;
	s3 =	sand.u32 $0x10, s0  }
.Ltmp0:
0x6: {  	s10 =	simm.s32 $0x0;
	s3 =	sor.u32 s1, s3;
	(pc) =	sbr.rel .LBB1_1-.Ltmp0, $4  }
0x7: {  	s0 =	rddreg [dreg:$0x2];
	_ =	strace $0x80000047;
	s3 =	sshll.u32 s3, $0x7  }
0x8: {  	s12 =	simm.s32 $0x0;
	[sflag:s4] =	ssyncpa.u1 $0x0;
	s7 =	ssub.s32 $0xF4200, s3  }
0x9: {  	s13 =	simm.s32 $0x0;
	[sflag:s6] =	ssyncpa.u1 $0x0;
	s6 =	sshrl.u32 s7, $0xC  }
0xa: {  	s5 =	sadd.s32 $0xE00, s5;
	s11 =	smov.u32 s3;
	s7 =	sadd.s32 $0x2, s6  }
.LBB1_5:
0xb: {  	p1 =	slt.u32 s13, $0x2  }
0xc: {  	s17 =	smov.u32 s15;
	p2 =	sgt.s32 @!p1 s15, $0xF41C0;
	s16 =	sshra.s32 @!p1 s15, $0x1F  }
0xd: {  	p3 =	sgt.s32 @!p1 s14, $0x40;
	s18 =	sshra.s32 @!p1 s14, $0x1F;
	p2 =	por !p2, p1  }
0xe: {  	s15 =	sand.u32 @!p1 s16, s15;
	p3 =	por !p3, p1;
	s16 =	smov.u32 s14  }
0xf: {  	s14 =	sand.u32 @!p1 s18, s14;
	s17 =	simm.s32 @p2 $0xF41C0;
	s16 =	simm.s32 @p3 $0x40  }
0x10: {  	s15 =	ssub.s32 @!p1 s17, s15;
	s14 =	ssub.s32 @!p1 s16, s14  }
0x11: {  	s18 =	smov.u32 s12;
	s16 =	sadd.s32 @!p1 $0xFFF0BE40, s15;
	s17 =	sadd.s32 @!p1 $0xFFFFFFC0, s14  }
0x12: {  	s15 =	ssub.s32 @!p1 $0xF4240, s15;
	p2 =	sgt.s32 @!p1 s16, $0x7F;
	p3 =	sgt.s32 @!p1 s17, $0x3F  }
0x13: {  	s14 =	ssub.s32 @!p1 $0x80, s14;
	p2 =	por !p2, p1;
	p3 =	por !p3, p1  }
0x14: {  	s16 =	sadd.s32 $0x1000, s11;
	s15 =	simm.s32 @!p2 $0x0;
	s14 =	simm.s32 @!p3 $0x0  }
0x15: {  	p2 =	sgt.s32 s16, $0xF423F;
	s14 =	smul.u32 @!p1 s14, s15;
	s15 =	sadd.s32 $0x40, s12  }
0x16: {  	s18 =	smov.u32 @p2 s15  }
0x17: {  	s16 =	smov.u32 @p2 s3;
	p2 =	sgt.s32 s18, $0x3F  }
0x18: {  	s18 =	simm.s32 @p2 $0x0;
	p2 =	sne.s32 s13, s7  }
.Ltmp1:
0x19: {  	p0 =	por !p0, !p0;
	s17 =	simm.s32 @!p1 $0x2;
	(pc) =	sbr.rel @!p2 .LBB1_6-.Ltmp1, $4  }
0x1a: {  	s15 =	smov.u32 s9;
	s9 =	smov.u32 s11;
	s14 =	sand.u32 @!p1 $0x3FFFFFFF, s14  }
0x1b: {  	s11 =	smov.u32 s16;
	_ =	swait.ge @!p1 [sflag:s17], s14;
	s19 =	ssub.s32 @!p1 $0x0, s14  }
0x1c: {  	s14 =	smov.u32 s10;
	s13 =	sadd.s32 $0x1, s13;
	[sflag:s17] =	ssyncset.done @!p1 $0x0  }
0x1d: {  	s10 =	smov.u32 s12;
	s12 =	smov.u32 s18;
	[sflag:s17] =	ssyncadd.s32 @!p1 s19  }
.LBB1_1:
0x1e: {  	p1 =	sgt.u32 s13, s6  }
0x1f: {  	s16 =	sshrl.u32 @!p1 s12, $0x3  }
0x20: {  	s17 =	sshll.u32 @!p1 s11, $0x3;
	s16 =	smul.u32 @!p1 $0x7A1400, s16  }
0x21: {  	s18 =	sshll.u32 @!p1 s12, $0x7;
	s17 =	sand.u32 @!p1 $0xFFFFFC00, s17  }
0x22: {  	s16 =	sadd.s32 @!p1 s16, s17;
	s17 =	sand.u32 @!p1 $0x380, s18  }
0x23: {  	s18 =	sand.u32 @!p1 $0x7F, s11;
	s16 =	sor.u32 @!p1 s17, s16  }
0x24: {  	s17 =	sor.u32 @!p1 s18, s16  }
0x25: {  	s18 =	smulhi.u32 @!p1 $0x218D6287, s17;
	_ =	sdelay $0x1  }
0x26: {  	s16 =	smulhi.u32 @!p1 $0x218D6287, s16;
	s18 =	sshrl.u32 @!p1 s18, $0x11  }
0x27: {  	s18 =	smul.u32 @!p1 $0xF4280, s18  }
0x28: {  	s19 =	sxor.u32 @!p1 $0xFFFFFFFF, s13;
	s16 =	sshrl.u32 @!p1 s16, $0x11  }
0x29: {  	s19 =	sshll.u32 @!p1 s19, $0xD;
	s16 =	sand.u32 @!p1 $0x3F, s16;
	s17 =	ssub.s32 @!p1 s17, s18  }
0x2a: {  	s16 =	smul.u32 @!p1 $0x1E850, s16;
	s18 =	sshrl.u32 @!p1 s17, $0x3;
	s17 =	sand.u32 @!p1 $0x7, s17  }
0x2b: {  	s19 =	sand.u32 @!p1 $0x2000, s19;
	s18 =	sadd.s32 @!p1 s2, s18;
	s17 =	sshll.u32 @!p1 s17, $0x12  }
0x2c: {  	s16 =	sadd.s32 @!p1 s16, s18;
	s17 =	sor.u32 @!p1 $0x400, s17;
	s18 =	simm.s32 @!p1 $0x7A1400  }
0x2d: {  	[tilespmem:s19], [sflag:$0x1] =	stream.strided.gather @!p1 [hbm4b:s16+s17], $0x2000, s18, s17, $0x38;
	[tilespmem:$0x8100] =	vst v63  }
0x2e: {  	p1 =	seq.s32 s13, $0x0  }
0x2f: {  	p2 =	sge.u32 @!p1 s13, s7  }
0x30: {  	p1 =	por p1, p2  }
.Ltmp2:
0x31: {  	_ = 	snop;
	(pc) =	sbr.rel @p1 .LBB1_5-.Ltmp2, $1  }
0x32: {  	_ =	sdelay $0x3  }
0x33: {  	s16 =	simm.s32 $0x1  }
0x34: {  	_ =	swait.ge [sflag:s4], $0x2000;
	s16 =	simm.s32 @!p0 $0x0  }
0x35: {  	[sflag:s4] =	ssyncset.done $0x0;
	s17 =	sshll.u32 s16, $0xD  }
0x36: {  	[sflag:s4] =	ssyncadd.s32 $0xFFFFE000;
	s17 =	sor.u32 $0x40, s17  }
0x37: {  	s16 =	smul.u32 $0x8200, s16;
	v0 =	vld [tilespmem:s17+$0x30]  }
0x38: {  	v1 =	vld [tilespmem:s17+$0xFFFFFFD0]  }
0x39: {  	s16 =	sshrl.u32 s16, $0x2;
	v5 =	vld [tilespmem:s17+$0xFFFFFFE0]  }
0x3a: {  	v6 =	vld [tilespmem:s17+$0xFFFFFFF0];
	s19 =	sor.u32 $0x4000, s16  }
0x3b: {  	s31 =	sand.u32 $0x1, s13;
	v4 =	vld [tilespmem:s17+$0x0];
	s18 =	sadd.s32 $0x0, s19  }
0x3c: {  	v3 =	vld [tilespmem:s17+$0x10];
	s16 =	smul.u32 $0x8200, s31;
	[tilespmem:s18+$0x1C70 ss:$0x41] =	vst.msk $0xffff, v0  }
0x3d: {  	v2 =	vld [tilespmem:s17+$0x20];
	[tilespmem:s18+$0x410 ss:$0x41] =	vst.msk $0xffff, v1  }
0x3e: {  	s16 =	sshrl.u32 s16, $0x2;
	v1 =	vld [tilespmem:s17+$0xFFFFFFC0];
	[tilespmem:s18+$0x820 ss:$0x41] =	vst.msk $0xffff, v5;
	s17 =	sadd.s32 $0x80, s17  }
0x3f: {  	s20 =	simm.s32 $0x4;
	s21 =	simm.s32 $0x8;
	s16 =	sor.u32 $0x4000, s16;
	[tilespmem:s18+$0xC30 ss:$0x41] =	vst.msk $0xffff, v6;
	v0 =	vld [tilespmem:s17+$0x30]  }
.LBB1_3:
0x40: {  	p1 =	sne.s32 s21, $0xFC;
	v5 =	vld [tilespmem:s17+$0xFFFFFFD0];
	[tilespmem:s18+$0x1040 ss:$0x41] =	vst.msk $0xffff, v4  }
0x41: {  	v6 =	vld [tilespmem:s17+$0xFFFFFFE0];
	[tilespmem:s18+$0x1450 ss:$0x41] =	vst.msk $0xffff, v3  }
0x42: {  	s22 =	sshra.s32 s20, $0x2;
	s20 =	smov.u32 s21;
	v7 =	vld [tilespmem:s17+$0xFFFFFFF0];
	[tilespmem:s18+$0x1860 ss:$0x41] =	vst.msk $0xffff, v2  }
.Ltmp3:
0x43: {  	v4 =	vld [tilespmem:s17+$0x0];
	[tilespmem:s18+$0x0 ss:$0x41] =	vst.msk $0xffff, v1;
	s18 =	sadd.s32 s22, s19;
	(pc) =	sbr.rel @p1 .LBB1_3-.Ltmp3, $4  }
0x44: {  	v3 =	vld [tilespmem:s17+$0x10];
	[tilespmem:s18+$0x1C70 ss:$0x41] =	vst.msk $0xffff, v0  }
0x45: {  	[tilespmem:s18+$0x410 ss:$0x41] =	vst.msk $0xffff, v5;
	v2 =	vld [tilespmem:s17+$0x20]  }
0x46: {  	v1 =	vld [tilespmem:s17+$0xFFFFFFC0];
	[tilespmem:s18+$0x820 ss:$0x41] =	vst.msk $0xffff, v6;
	s17 =	sadd.s32 $0x80, s17  }
0x47: {  	s21 =	sadd.s32 $0x4, s21;
	v0 =	vld [tilespmem:s17+$0x30];
	[tilespmem:s18+$0xC30 ss:$0x41] =	vst.msk $0xffff, v7  }
0x48: {  	s21 =	sshll.u32 s9, $0x7;
	s22 =	sshll.u32 s10, $0x3;
	s20 =	sshra.s32 s20, $0x2  }
0x49: {  	p1 =	sgt.s32 s9, $0xF41C0;
	s30 =	sshra.s32 s9, $0x1F;
	s25 =	sshra.s32 s10, $0x1F  }
0x4a: {  	v5 =	vld [tilespmem:s17+$0xFFFFFFD0];
	s28 =	sshrl.u32 s10, $0x3;
	s23 =	sand.u32 $0xFFFFFC00, s21;
	s22 =	sand.u32 $0xFFFFFC00, s22  }
0x4b: {  	[tilespmem:s18+$0x1040 ss:$0x41] =	vst.msk $0xffff, v4;
	v58 =	vld [tilespmem:s17+$0xFFFFFFE0];
	s21 =	sand.u32 $0x380, s21;
	s19 =	sadd.s32 s20, s19;
	s22 =	sadd.s32 s22, s23  }
0x4c: {  	v59 =	vld [tilespmem:s17+$0xFFFFFFF0];
	[tilespmem:s18+$0x1450 ss:$0x41] =	vst.msk $0xffff, v3;
	s29 =	sor.u32 s21, s22;
	s21 =	smov.u32 s9;
	s22 =	sand.u32 s30, s9  }
0x4d: {  	v60 =	vld [tilespmem:s17+$0x0];
	[tilespmem:s18+$0x1860 ss:$0x41] =	vst.msk $0xffff, v2;
	s30 =	sand.u32 $0x7, s10;
	s20 =	sshrl.u32 s29, $0x7;
	s21 =	simm.s32 @!p1 $0xF41C0  }
0x4e: {  	v61 =	vld [tilespmem:s17+$0x10];
	[tilespmem:s18+$0x0 ss:$0x41] =	vst.msk $0xffff, v1;
	p1 =	sgt.s32 s10, $0x40;
	s24 =	ssub.s32 s21, s22;
	s21 =	smov.u32 s10  }
0x4f: {  	v62 =	vld [tilespmem:s17+$0x20];
	[tilespmem:s19+$0x1C70 ss:$0x41] =	vst.msk $0xffff, v0;
	s31 =	smulhi.u32 $0x218DEF5, s20;
	s22 =	sand.u32 s25, s10;
	s21 =	simm.s32 @!p1 $0x40  }
0x50: {  	v63 =	vld [tilespmem:s17+$0xFFFFFFC0];
	[tilespmem:s19+$0x410 ss:$0x41] =	vst.msk $0xffff, v5;
	s26 =	sadd.s32 $0xFFF0BE40, s24;
	s17 =	ssub.s32 $0xF4240, s24;
	s21 =	ssub.s32 s21, s22  }
0x51: {  	[tilespmem:s19+$0x820 ss:$0x41] =	vst.msk $0xffff, v58;
	s23 =	sshrl.u32 s31, $0xD;
	p1 =	sgt.s32 s26, $0x7F;
	s27 =	sadd.s32 $0xFFFFFFC0, s21  }
0x52: {  	[tilespmem:s19+$0xC30 ss:$0x41] =	vst.msk $0xffff, v59;
	s23 =	smul.u32 $0xF4240, s23;
	s18 =	ssub.s32 $0x80, s21;
	p2 =	sgt.s32 s27, $0x3F  }
.Ltmp4:
0x53: {  	[tilespmem:s19+$0x1040 ss:$0x41] =	vst.msk $0xffff, v60;
	s17 =	simm.s32 @p1 $0x0;
	s18 =	simm.s32 @p2 $0x0;
	(pc) =	sbr.rel .LBB1_5-.Ltmp4, $4  }
0x54: {  	s29 =	sand.u32 $0xF, s28;
	[tilespmem:s19+$0x1450 ss:$0x41] =	vst.msk $0xffff, v61;
	s20 =	ssub.s32 s20, s23;
	s17 =	smul.u32 s18, s17  }
0x55: {  	[tilespmem:s19+$0x1860 ss:$0x41] =	vst.msk $0xffff, v62;
	s21 =	sshll.u32 s30, $0x12;
	s20 =	sshll.u32 s20, $0x4;
	s18 =	sadd.s32 s5, s29  }
0x56: {  	[tilespmem:s19+$0x0 ss:$0x41] =	vst.msk $0xffff, v63;
	s31 =	sor.u32 $0x40, s21;
	s18 =	sadd.s32 s20, s18;
	s17 =	sand.u32 $0x3FFFFFFF, s17  }
0x57: {  	[hbm4b:s18+s31] =	stream.strided.scatter [tilespmem:s16], [sflag:$0x2], s17, s8, s31, $0x18;
	[tilespmem:$0x8100] =	vst v63  }
.LBB1_6:
0x58: {  	_ =	sfence.sel $0x180000  }
0x59: {  	s2 =	simm.s32 $0x1;
	[bflag:$0x0] =	sbarrier.arrive $0xFFFF  }
0x5a: {  	s31 =	simm.s32 $0x2;
	[sflag:s2] =	ssyncpa.u1 $0x1  }
0x5b: {  	[sflag:s31] =	ssyncpa.u1 $0x1  }
0x5c: {  	p0 =	sne.s32 s1, $0x0;
	_ =	strace $0x90000047  }
0x5d: {  	s0 =	sadd.s32 @!p0 $0x100000, s0;
	[bflag:$0x2] =	sbarrier.arrive $0xFFFF  }
0x5e: {  	[sflag:s0] =	ssyncadd.tile.s32 @!p0 $0x1;
	_ =	shalt  }
.Lfunc_end1:
_tile_overlayer_lowered:
.L_overlay_start_2:
0x5f: {  	(tag) =	ssettag $0x2  }
0x60: {  	s0 =	rddreg [dreg:$0x0];
	s2 =	stileid.u32  }
0x61: {  	s1 =	rddreg [dreg:$0x1];
	p0 =	sne.s32 s2, $0x0  }
0x62: {  	s3 =	rddreg [dreg:$0x2];
	[bflag:$0x3] =	sbarrier.arrive $0xFFFF;
	s2 =	simm.s32 @!p0 $0x1C01  }
0x63: {  	[timem:s3], [sflag:s2] =	dma.local @!p0 [hbm:s0], s1  }
0x64: {  	s0 =	simm.s32 @!p0 $0x1  }
0x65: {  	_ =	swait.ge @!p0 [sflag:s0], s1  }
0x66: {  	s1 =	ssub.s32 @!p0 $0x0, s1;
	[sflag:s0] =	ssyncset.done @!p0 $0x0  }
0x67: {  	[sflag:s0] =	ssyncadd.s32 @!p0 s1  }
0x68: {  	[bflag:$0x3] =	sbarrier.arrive $0xFFFF  }
0x69: {  	_ =	shalt  }

// kernel: sparse-core-data-format-call.cloned.1.call-start
scs
called_computation_lowered:
.L_overlay_start_0:
0x0: {  	s2 =	sld [smem:$0x3FD9]  }
0x1: {  	s3 =	sld [smem:$0x3FFE];
	_ =	sdelay $0x1  }
0x2: {  	s1 =	srdreg.scid  }
0x3: {  	s0 =	sand.u32 $0x1, s1  }
0x4: {  	s18 =	sshll.u32 s0, $0xA;
	s2 =	sadd.s32 s3, s2  }
0x5: {  	s2 =	sadd.s32 s2, s18  }
0x6: {  	[smem:$0x3FC6] =	sst s2  }
0x7: {  	_ = 	snop  }
0x8: {  	s2 =	sld [smem:$0x3FD0];
	(tm) =	ssettm $0x1  }
0x9: {  	s19 =	sld [smem:$0x3FFB];
	_ =	sdelay $0x3  }
0xa: {  	_ =	strace s19  }
0xb: {  	s3 =	sld [smem:$0x3FFC];
	_ =	sdelay $0x3  }
0xc: {  	_ =	strace s3  }
0xd: {  	s3 =	sld [smem:$0x3FFD];
	_ =	sdelay $0x3  }
0xe: {  	_ =	strace s3  }
0xf: {  	_ =	strace $0x8FFFFFFF  }
0x10: {  	s20 =	sld [smem:$0x3FDB];
	_ =	sdelay $0x1  }
0x11: {  	s4 =	simm.s32 $_scs_section_size  }
0x12: {  	s5 =	simm.s32 $_size__tile_overlayer_lowered;
	s6 =	simm.s32 $_tile_overlayer_lowered  }
0x13: {  	s23 =	simm.s32 $0x1BFF;
	s22 =	sshll.u32 s6, $0x1;
	s3 =	sadd.s32 s4, s20  }
0x14: {  	s7 =	simm.s32 $0x0;
	s21 =	sshll.u32 s5, $0x1;
	s5 =	sadd.s32 s22, s3  }
0x15: {  	[timem:s7], [sflag:s23] =	dma.local [hbm:s5], s21  }
0x16: {  	_ =	swait.ge [sflag:s23], s21  }
0x17: {  	s4 =	ssub.s32 $0x0, s21;
	[sflag:s23] =	ssyncset.done $0x0  }
0x18: {  	[sflag:s23] =	ssyncadd.s32 s4;
	_ =	sdelay $0x1  }
0x19: {  	s24 =	simm.s32 $0x1B8B  }
0x1a: {  	_ =	swait.ge [sflag:s24], $0x1  }
0x1b: {  	[sflag:s24] =	ssyncset.done $0x0  }
0x1c: {  	s26 =	simm.s32 $0x1B8E;
	s25 =	sld [smem:$0x3FFE];
	[sflag:s24] =	ssyncadd.s32 $0xFFFFFFFF  }
0x1d: {  	s27 =	simm.s32 $execute0_lowered;
	[smem:$0x3FD2] =	sst s26  }
0x1e: {  	s5 =	sshll.u32 s27, $0x1;
	_ =	strace $0x8000004C;
	[dreg:$0x1] =	wrdreg $0xFFFFFFFF  }
0x1f: {  	s28 =	simm.s32 $_size_execute0_lowered;
	s3 =	sadd.s32 s3, s5;
	[dreg:$0x0] =	wrdreg $0x0  }
0x20: {  	s5 =	sshll.u32 s28, $0x1;
	[dreg:$0x2] =	wrdreg s3  }
0x21: {  	[dreg:$0x3] =	wrdreg s5  }
0x22: {  	[dreg:$0x4] =	wrdreg $0xC0  }
0x23: {  	_ =	task [dreg:s7], $0x5FFFF  }
0x24: {  	[dreg:$0x1] =	wrdreg $0xFFFFFFFF  }
0x25: {  	[dreg:$0x0] =	wrdreg $0x60  }
0x26: {  	[dreg:$0x2] =	wrdreg s25  }
0x27: {  	[dreg:$0x3] =	wrdreg s2  }
0x28: {  	[dreg:$0x4] =	wrdreg $0x9  }
0x29: {  	_ =	task.clear_ibuf [dreg:s7], $0x5FFFF;
	_ =	strace $0x9000004C  }
0x2a: {  	s29 =	simm.s32 $0x9;
	_ =	strace $0x8000004E  }
0x2b: {  	_ =	swait.ge [sflag:s29], $0x1  }
0x2c: {  	[sflag:s29] =	ssyncadd.s32 $0xFFFFFFFF  }
0x2d: {  	_ =	strace $0x9000004E  }
0x2e: {  	_ =	sfence  }
0x2f: {  	s30 =	sld [smem:$0x0];
	_ =	sdelay $0x2  }
0x30: {  	s31 =	sshll.u32 s1, $0xD;
	s1 =	sshrl.u32 s1, $0x2  }
0x31: {  	s3 =	sand.u32 $0x4000, s31;
	s1 =	sadd.s32 s1, s30  }
0x32: {  	s0 =	sor.u32 s3, s0;
	s1 =	sshll.u32 s1, $0x11  }
0x33: {  	s0 =	sor.u32 s1, s0  }
0x34: {  	s0 =	sadd.s32 $0x8F2B, s0  }
0x35: {  	[sflag:s0] =	ssyncadd.remote.s32 $0x1  }
0x36: {  	_ =	sfence.sel $0xFFFF  }
0x37: {  	[dreg:$0x0] =	wrdreg $0xFFFFFFFF;
	(pc) =	sbr.abs _section_cstart, $3  }
0x38: {  	[dreg:$0x1] =	wrdreg $0xFFFFFFFF  }
0x39: {  	_ =	task.clear_ibuf [dreg:s7], $0x2FFFF;
	_ =	strace $0x9FFFFFFF  }
0x3a: {  	(tm) =	ssettm $0x7FFFFFFF  }
0x3b: {  	_ =	shalt  }
tec
execute0_lowered:
.L_overlay_start_1:
0x0: {  	(tag) =	ssettag $0x1  }
0x1: {  	s0 =	srdreg.scid  }
0x2: {  	s1 =	sshll.u32 s0, $0x4  }
0x3: {  	s0 =	stileid.u32;
	s1 =	sand.u32 $0x10, s1  }
0x4: {  	s1 =	sor.u32 s0, s1  }
0x5: {  	s6 =	rddreg [dreg:$0x0];
	s4 =	simm.s32 $0x1;
	s2 =	sshll.u32 s1, $0x7  }
0x6: {  	s7 =	simm.s32 $0x2;
	s12 =	simm.s32 $0x0;
	s1 =	ssub.s32 $0x1000, s2  }
0x7: {  	s8 =	simm.s32 $0x8000;
	s13 =	simm.s32 $0x0;
	s3 =	sand.u32 $0xF80, s1  }
0x8: {  	s9 =	simm.s32 $0x0;
	s5 =	sshrl.u32 s1, $0xC;
	p0 =	sne.s32 s3, $0x0  }
.Ltmp0:
0x9: {  	s1 =	rddreg [dreg:$0x2];
	s4 =	simm.s32 @!p0 $0x0;
	(pc) =	sbr.rel .LBB1_1-.Ltmp0, $4  }
0xa: {  	s11 =	simm.s32 $0x0;
	s3 =	rddreg [dreg:$0x1];
	s5 =	sadd.s32 s4, s5  }
0xb: {  	_ =	strace $0x8000004D;
	s4 =	simm.s32 $0x1;
	s5 =	smul.u32 $0xC8, s5  }
0xc: {  	s6 =	sadd.s32 $0xE00, s6;
	s10 =	smov.u32 s2;
	[sflag:s4] =	ssyncpa.u1 $0x0  }
0xd: {  	p0 =	por $0x0, $0x0;
	[sflag:s7] =	ssyncpa.u1 $0x0;
	s7 =	sor.u32 $0x1, s5  }
.LBB1_4:
0xe: {  	s16 =	sshll.u32 s13, $0x3;
	s17 =	sand.u32 $0x78, s13  }
0xf: {  	s30 =	sand.u32 $0x7E00, s13;
	s12 =	sshll.u32 s12, $0xF;
	s16 =	sand.u32 $0xC00, s16  }
0x10: {  	[tilespmem:s15+$0x810 ss:$0x81] =	vst.msk $0xffff, v2;
	s31 =	sand.u32 $0x7, s13;
	s16 =	sor.u32 s17, s16;
	s17 =	sadd.s32 s3, s30  }
0x11: {  	[tilespmem:s15+$0x1020 ss:$0x81] =	vst.msk $0xffff, v0;
	s13 =	sshll.u32 s31, $0x12;
	s12 =	sadd.s32 s12, s17;
	s16 =	sshrl.u32 s16, $0x3  }
0x12: {  	[tilespmem:s15+$0x0 ss:$0x81] =	vst.msk $0xffff, v1;
	s13 =	sor.u32 $0x400, s13;
	s12 =	sadd.s32 s16, s12  }
0x13: {  	[hbm4b:s12+s13] =	stream.strided.scatter [tilespmem:s14], [sflag:$0x2], $0x2000, s8, s13, $0x20;
	[tilespmem:$0x8080] =	vst v63  }
.LBB1_5:
0x14: {  	s14 =	sadd.s32 $0x1, s9  }
0x15: {  	s12 =	sadd.s32 $0x1000, s10;
	s16 =	smov.u32 s10;
	p2 =	sgt.s32 s14, $0xC7  }
0x16: {  	s16 =	smov.u32 @p2 s12  }
0x17: {  	s14 =	simm.s32 @p2 $0x0;
	p2 =	sgt.s32 s16, $0xFFF  }
0x18: {  	s16 =	smov.u32 @p2 s2;
	p2 =	sne.s32 s11, s7  }
.Ltmp1:
0x19: {  	p1 =	slt.u32 s11, $0x2;
	(pc) =	sbr.rel @!p2 .LBB1_6-.Ltmp1, $4  }
0x1a: {  	s15 =	simm.s32 @!p1 $0x2  }
0x1b: {  	s13 =	smov.u32 s10;
	p0 =	por !p0, !p0;
	_ =	swait.ge @!p1 [sflag:s15], $0x2000  }
0x1c: {  	s12 =	smov.u32 s9;
	[sflag:s15] =	ssyncset.done @!p1 $0x0;
	s9 =	smov.u32 s14  }
0x1d: {  	s11 =	sadd.s32 $0x1, s11;
	[sflag:s15] =	ssyncadd.s32 @!p1 $0xFFFFE000;
	s10 =	smov.u32 s16  }
.LBB1_1:
0x1e: {  	p1 =	sge.u32 s11, s5  }
0x1f: {  	s14 =	sand.u32 @!p1 $0x1FFFFFF, s9  }
0x20: {  	s15 =	smulhi.u32 @!p1 $0x147AE15, s14;
	_ =	sdelay $0x1  }
0x21: {  	s15 =	smul.u32 @!p1 $0xC8, s15  }
0x22: {  	s16 =	sxor.u32 @!p1 $0xFFFFFFFF, s11;
	s17 =	smul.u32 @!p1 $0xC80, s10  }
0x23: {  	s31 =	sadd.s32 $0xFFFFFFFF, s11;
	s16 =	sshll.u32 @!p1 s16, $0xD;
	s14 =	ssub.s32 @!p1 s14, s15  }
0x24: {  	s15 =	sand.u32 @!p1 $0x2000, s16;
	s16 =	sadd.s32 @!p1 s6, s17;
	s14 =	sshll.u32 @!p1 s14, $0x4  }
0x25: {  	s17 =	simm.s32 @!p1 $0x6400;
	s14 =	sadd.s32 @!p1 s14, s16;
	s16 =	simm.s32 @!p1 $0x40  }
0x26: {  	[tilespmem:s15], [sflag:$0x1] =	stream.strided.gather @!p1 [hbm4b:s14+s16], $0x2000, s17, s16, $0x38;
	[tilespmem:$0x8080] =	vst v63  }
0x27: {  	p1 =	sge.u32 s31, s5  }
.Ltmp2:
0x28: {  	_ = 	snop;
	(pc) =	sbr.rel @p1 .LBB1_5-.Ltmp2, $1  }
0x29: {  	_ =	sdelay $0x3  }
0x2a: {  	s14 =	simm.s32 $0x1  }
0x2b: {  	_ =	swait.ge [sflag:s4], $0x2000;
	s14 =	simm.s32 @!p0 $0x0  }
0x2c: {  	[sflag:s4] =	ssyncset.done $0x0;
	s15 =	sshll.u32 s14, $0xD  }
0x2d: {  	[sflag:s4] =	ssyncadd.s32 $0xFFFFE000;
	s18 =	sor.u32 $0x20, s15  }
0x2e: {  	s14 =	smul.u32 $0x8100, s14;
	v3 =	vld [tilespmem:s18+$0x10]  }
0x2f: {  	s30 =	sand.u32 $0x1, s11;
	v2 =	vld [tilespmem:s18+$0xFFFFFFF0]  }
0x30: {  	s15 =	smul.u32 $0x8100, s30;
	s14 =	sshrl.u32 s14, $0x2;
	v0 =	vld [tilespmem:s18+$0x0]  }
0x31: {  	v1 =	vld [tilespmem:s18+$0xFFFFFFE0];
	s16 =	sor.u32 $0x4000, s14  }
0x32: {  	s31 =	sshrl.u32 s15, $0x2;
	s15 =	sadd.s32 $0x0, s16  }
0x33: {  	s17 =	simm.s32 $0x4;
	s18 =	sadd.s32 $0x40, s18;
	s14 =	sor.u32 $0x4000, s31;
	[tilespmem:s15+$0x1830 ss:$0x81] =	vst.msk $0xffff, v3  }
.LBB1_3:
0x34: {  	v3 =	vld [tilespmem:s18+$0x10];
	p1 =	sne.s32 s17, $0x1FC;
	[tilespmem:s15+$0x810 ss:$0x81] =	vst.msk $0xffff, v2;
	s19 =	smov.u32 s17;
	s17 =	sadd.s32 $0x4, s17  }
.Ltmp3:
0x35: {  	v2 =	vld [tilespmem:s18+$0xFFFFFFF0];
	[tilespmem:s15+$0x1020 ss:$0x81] =	vst.msk $0xffff, v0;
	(pc) =	sbr.rel @p1 .LBB1_3-.Ltmp3, $4  }
0x36: {  	v0 =	vld [tilespmem:s18+$0x0];
	[tilespmem:s15+$0x0 ss:$0x81] =	vst.msk $0xffff, v1  }
0x37: {  	s15 =	sshra.s32 s19, $0x2;
	v1 =	vld [tilespmem:s18+$0xFFFFFFE0]  }
0x38: {  	s15 =	sadd.s32 s15, s16  }
0x39: {  	s18 =	sadd.s32 $0x40, s18;
	[tilespmem:s15+$0x1830 ss:$0x81] =	vst.msk $0xffff, v3  }
.Ltmp4:
0x3a: {  	_ = 	snop;
	(pc) =	sbr.rel .LBB1_4-.Ltmp4, $1  }
0x3b: {  	_ =	sdelay $0x3  }
.LBB1_6:
0x3c: {  	_ =	sfence.sel $0x180000  }
0x3d: {  	s2 =	simm.s32 $0x1;
	[bflag:$0x0] =	sbarrier.arrive $0xFFFF  }
0x3e: {  	s31 =	simm.s32 $0x2;
	[sflag:s2] =	ssyncpa.u1 $0x1  }
0x3f: {  	[sflag:s31] =	ssyncpa.u1 $0x1  }
0x40: {  	p0 =	sne.s32 s0, $0x0;
	_ =	strace $0x9000004D  }
0x41: {  	s0 =	sadd.s32 @!p0 $0x100000, s1;
	[bflag:$0x2] =	sbarrier.arrive $0xFFFF  }
0x42: {  	[sflag:s0] =	ssyncadd.tile.s32 @!p0 $0x1;
	_ =	shalt  }
.Lfunc_end1:
_tile_overlayer_lowered:
.L_overlay_start_2:
0x43: {  	(tag) =	ssettag $0x2  }
0x44: {  	s0 =	rddreg [dreg:$0x0];
	s2 =	stileid.u32  }
0x45: {  	s1 =	rddreg [dreg:$0x1];
	p0 =	sne.s32 s2, $0x0  }
0x46: {  	s3 =	rddreg [dreg:$0x2];
	[bflag:$0x3] =	sbarrier.arrive $0xFFFF;
	s2 =	simm.s32 @!p0 $0x1C01  }
0x47: {  	[timem:s3], [sflag:s2] =	dma.local @!p0 [hbm:s0], s1  }
0x48: {  	s0 =	simm.s32 @!p0 $0x1  }
0x49: {  	_ =	swait.ge @!p0 [sflag:s0], s1  }
0x4a: {  	s1 =	ssub.s32 @!p0 $0x0, s1;
	[sflag:s0] =	ssyncset.done @!p0 $0x0  }
0x4b: {  	[sflag:s0] =	ssyncadd.s32 @!p0 s1  }
0x4c: {  	[bflag:$0x3] =	sbarrier.arrive $0xFFFF  }
0x4d: {  	_ =	shalt  }

</sc_bundles>
